<compile_context>
chip_gen: v7x
topology: tpu7x:2x2x1
jax: 0.10.2.dev20260603
libtpu: 0.0.44.dev20260713+nightly
codegen_flags: <defaults>
</compile_context>

<pallas_src>
import functools

import jax
import jax.numpy as jnp
from jax import lax
from jax.experimental import pallas as pl
from jax.experimental.pallas import tpu as pltpu
from jax.experimental.pallas import tpu_sc as plsc

B, D, R = 16384, 128, 1000
NC, NS = 2, 16
NW = NC * NS
ROWS_W = B // NW
RC = 128
NCH = ROWS_W // RC
NG = RC // 16
NBUF = 2


def _tree_sum(vals):
    while len(vals) > 1:
        vals = [a + b for a, b in zip(vals[::2], vals[1::2])]
    return vals[0]


def _sc_body(subj_hbm, obj_hbm, rel_hbm, table_hbm, out_hbm,
             idx_v, s_v, o_v, r_v, out_v, scr_v, tbl_sp, sem_s, sem_o, sem_r):
    wid = lax.axis_index("s") * NC + lax.axis_index("c")
    base = wid * ROWS_W
    lanes = lax.iota(jnp.int32, 16)

    @pl.when(lax.axis_index("s") == 0)
    def _():
        pltpu.sync_copy(table_hbm, tbl_sp)

    pltpu.sync_copy(rel_hbm.at[pl.ds(base, ROWS_W)], idx_v)
    plsc.subcore_barrier()

    def start_chunk(ci, buf):
        row0 = base + ci * RC
        pltpu.async_copy(tbl_sp.at[idx_v.at[pl.ds(ci * RC, RC)]],
                         r_v.at[buf], sem_r)
        pltpu.async_copy(subj_hbm.at[pl.ds(row0, RC)], s_v.at[buf], sem_s)
        pltpu.async_copy(obj_hbm.at[pl.ds(row0, RC)], o_v.at[buf], sem_o)

    def wait_chunk(ci, buf):
        pltpu.make_async_copy(tbl_sp.at[idx_v.at[pl.ds(ci * RC, RC)]],
                              r_v.at[buf], sem_r).wait()
        pltpu.make_async_copy(subj_hbm.at[pl.ds(0, RC)], s_v.at[buf], sem_s).wait()
        pltpu.make_async_copy(obj_hbm.at[pl.ds(0, RC)], o_v.at[buf], sem_o).wait()

    def compute_chunk(ci, buf):
        row0 = base + ci * RC
        sb, ob, rb = s_v.at[buf], o_v.at[buf], r_v.at[buf]

        def row_body(r):
            acc = (sb[r, pl.ds(0, 16)] * rb[r, pl.ds(0, 16)]
                   * ob[r, pl.ds(0, 16)])
            for j in range(1, D // 16):
                acc += (sb[r, pl.ds(16 * j, 16)]
                        * rb[r, pl.ds(16 * j, 16)]
                        * ob[r, pl.ds(16 * j, 16)])
            g = lax.div(r, 16)
            rr = lax.rem(r, 16)
            plsc.store_scatter(scr_v, [g * 256 + lanes * 16 + rr], acc)

        plsc.parallel_loop(0, RC, 1, unroll=2)(row_body)

        def reduce_body(g):
            sbase = g * 256
            res = _tree_sum([scr_v[pl.ds(sbase + c * 16, 16)]
                             for c in range(16)])
            out_v[pl.ds(g * 16, 16)] = res

        plsc.parallel_loop(0, NG, 1)(reduce_body)
        pltpu.sync_copy(out_v, out_hbm.at[pl.ds(row0, RC)])

    start_chunk(0, 0)

    def chunk_body(ci, _):
        buf = lax.rem(ci, NBUF)

        @pl.when(ci + 1 < NCH)
        def _():
            start_chunk(ci + 1, lax.rem(ci + 1, NBUF))

        wait_chunk(ci, buf)
        compute_chunk(ci, buf)
        return 0

    lax.fori_loop(0, NCH, chunk_body, 0)


@jax.jit
def _scores_sc(subject_embeddings, object_embeddings, relations, relation_table):
    mesh = plsc.VectorSubcoreMesh(core_axis_name="c", subcore_axis_name="s")
    f = functools.partial(
        pl.kernel,
        out_type=jax.ShapeDtypeStruct((B,), jnp.float32),
        mesh=mesh,
        scratch_types=[
            pltpu.VMEM((ROWS_W,), jnp.int32),
            pltpu.VMEM((NBUF, RC, D), jnp.float32),
            pltpu.VMEM((NBUF, RC, D), jnp.float32),
            pltpu.VMEM((NBUF, RC, D), jnp.float32),
            pltpu.VMEM((RC,), jnp.float32),
            pltpu.VMEM((NG * 256,), jnp.float32),
            pltpu.VMEM_SHARED((R, D), jnp.float32),
            pltpu.SemaphoreType.DMA,
            pltpu.SemaphoreType.DMA,
            pltpu.SemaphoreType.DMA,
        ],
        compiler_params=pltpu.CompilerParams(needs_layout_passes=False),
    )(_sc_body)
    return f(subject_embeddings, object_embeddings, relations, relation_table)


def kernel(subject_embeddings, object_embeddings, relations, relation_table):
    scores = _scores_sc(subject_embeddings, object_embeddings,
                        relations.astype(jnp.int32), relation_table)
    return scores.reshape(B, 1)

# --- scband reference (transcript-rebuilt; emitter-appended) ---
"""Pipeline reference for scband-dist-mult-decoder-64407329571716 (READ-ONLY COPY).

The authoritative reference and input builder live on the scoring server;
editing this copy changes nothing except your own understanding.
"""

import jax, jax.numpy as jnp
import numpy as np


def setup_inputs(seed: int = 0) -> dict:
    key = jax.random.key(seed)
    k1, k2, k3, k4 = jax.random.split(key, 4)
    B, D, R = 16384, 128, 1000
    subject_embeddings = jax.random.normal(k1, (B, D), dtype=jnp.float32)
    object_embeddings = jax.random.normal(k2, (B, D), dtype=jnp.float32)
    relations = jax.random.randint(k3, (B,), 0, R, dtype=jnp.int64 if jax.config.jax_enable_x64 else jnp.int32)
    # xavier_normal init for relation embedding table [R, D]
    std = float(np.sqrt(2.0 / (R + D)))
    relation_table = jax.random.normal(k4, (R, D), dtype=jnp.float32) * std
    return {
        "subject_embeddings": subject_embeddings,
        "object_embeddings": object_embeddings,
        "relations": relations,
        "relation_table": relation_table,
    }


def reference(subject_embeddings, object_embeddings, relations, relation_table):
    # dropout=0 -> identity
    relation_embeddings = jnp.take(relation_table, relations, axis=0)
    scores = jnp.sum(subject_embeddings * relation_embeddings * object_embeddings, axis=1, keepdims=True)
    return scores

if __name__ == "__main__":
    import jax
    _d = setup_inputs()
    print(jax.jit(kernel)(*tuple(_d.values())))

</pallas_src>

<mosaic_0001>
#map = affine_map<(d0, d1) -> (0, 0)>
#map1 = affine_map<(d0, d1) -> (0)>
module attributes {stable_mosaic.version = 14 : i64} {
  func.func @_sc_body(%arg0: i32, %arg1: i32, %arg2: memref<16384x128xf32, #tpu.memory_space<hbm>>, %arg3: memref<16384x128xf32, #tpu.memory_space<hbm>>, %arg4: memref<16384xi32, #tpu.memory_space<hbm>>, %arg5: memref<1000x128xf32, #tpu.memory_space<hbm>>, %arg6: memref<16384xf32, #tpu.memory_space<hbm>>, %arg7: memref<512xi32, #tpu.memory_space<vmem>>, %arg8: memref<2x128x128xf32, #tpu.memory_space<vmem>>, %arg9: memref<2x128x128xf32, #tpu.memory_space<vmem>>, %arg10: memref<2x128x128xf32, #tpu.memory_space<vmem>>, %arg11: memref<128xf32, #tpu.memory_space<vmem>>, %arg12: memref<2048xf32, #tpu.memory_space<vmem>>, %arg13: memref<1000x128xf32, #tpu.memory_space<vmem_shared>>, %arg14: memref<!tpu.dma_semaphore, #tpu.memory_space<semaphore_mem>>, %arg15: memref<!tpu.dma_semaphore, #tpu.memory_space<semaphore_mem>>, %arg16: memref<!tpu.dma_semaphore, #tpu.memory_space<semaphore_mem>>) attributes {dimension_semantics = [#tpu.dimension_semantics<core_parallel>, #tpu.dimension_semantics<subcore_parallel>], iteration_bounds = array<i64: 2, 16>, scalar_prefetch = 0 : i64, scratch_operands = 10 : i64, tpu.core_type = #tpu.core_type<sc_vector_subcore>, window_params = [{transform_indices = #map}, {transform_indices = #map}, {transform_indices = #map1}, {transform_indices = #map}, {transform_indices = #map1}]} {
    %mul3A = arith.constant 2 : i32
    %mul3A_0 = arith.muli %arg1, %mul3A : i32
    %add3A = arith.addi %mul3A_0, %arg0 : i32
    %mul3A_1 = arith.constant 512 : i32
    %mul3A_2 = arith.muli %add3A, %mul3A_1 : i32
    %iota3A = tpu.iota {dimensions = array<i32: 0>} : vector<16xi32>
    %eq3A = arith.constant 0 : i32
    %eq3A_3 = arith.cmpi eq, %arg1, %eq3A : i32
    %convert_element_type3A = arith.extui %eq3A_3 : i1 to i32
    %cond3A = arith.constant 0 : i32
    %cond3A_4 = arith.cmpi ne, %convert_element_type3A, %cond3A : i32
    scf.if %cond3A_4 {
      "tpu.region"() ({
        %run_scoped3A = tpu.sem_alloc : memref<!tpu.dma_semaphore, #tpu.memory_space<semaphore_mem>>
        tpu.enqueue_dma source(%arg5 : memref<1000x128xf32, #tpu.memory_space<hbm>>) target(%arg13 : memref<1000x128xf32, #tpu.memory_space<vmem_shared>>) target_semaphore(%run_scoped3A : memref<!tpu.dma_semaphore, #tpu.memory_space<semaphore_mem>>)
        tpu.wait_dma2 semaphore(%run_scoped3A : memref<!tpu.dma_semaphore, #tpu.memory_space<semaphore_mem>>) src(%arg5 : memref<1000x128xf32, #tpu.memory_space<hbm>>) dst(%arg13 : memref<1000x128xf32, #tpu.memory_space<vmem_shared>>)
        tpu.yield
      }) : () -> ()
    } else {
    }
    "tpu.region"() ({
      %run_scoped3A = tpu.sem_alloc : memref<!tpu.dma_semaphore, #tpu.memory_space<semaphore_mem>>
      %dma_start3A_48 = tpu.memref_slice %arg4[%mul3A_2] : memref<16384xi32, #tpu.memory_space<hbm>> -> memref<512xi32, #tpu.memory_space<hbm>>
      %dma_start3A_49 = tpu.memref_slice %arg4[%mul3A_2] : memref<16384xi32, #tpu.memory_space<hbm>> -> memref<512xi32, #tpu.memory_space<hbm>>
      tpu.enqueue_dma source(%dma_start3A_49 : memref<512xi32, #tpu.memory_space<hbm>>) target(%arg7 : memref<512xi32, #tpu.memory_space<vmem>>) target_semaphore(%run_scoped3A : memref<!tpu.dma_semaphore, #tpu.memory_space<semaphore_mem>>)
      %dma_wait3A = tpu.memref_slice %arg4[%mul3A_2] : memref<16384xi32, #tpu.memory_space<hbm>> -> memref<512xi32, #tpu.memory_space<hbm>>
      %dma_wait3A_50 = tpu.memref_slice %arg4[%mul3A_2] : memref<16384xi32, #tpu.memory_space<hbm>> -> memref<512xi32, #tpu.memory_space<hbm>>
      tpu.wait_dma2 semaphore(%run_scoped3A : memref<!tpu.dma_semaphore, #tpu.memory_space<semaphore_mem>>) src(%dma_wait3A_50 : memref<512xi32, #tpu.memory_space<hbm>>) dst(%arg7 : memref<512xi32, #tpu.memory_space<vmem>>)
      tpu.yield
    }) : () -> ()
    %barrier3A = arith.constant 0 : index
    tpu.barrier barrier_id(%barrier3A)
    %add3A_5 = arith.constant 0 : i32
    %add3A_6 = arith.addi %mul3A_2, %add3A_5 : i32
    %dma_start3A = arith.constant 0 : i32
    %dma_start3A_7 = arith.constant 0 : i32
    %dma_start3A_8 = arith.constant 0 : i32
    %dma_start3A_9 = tpu.memref_slice %arg10[%dma_start3A, %dma_start3A_7, %dma_start3A_8] : memref<2x128x128xf32, #tpu.memory_space<vmem>> -> memref<1x128x128xf32, #tpu.memory_space<vmem>>
    %dma_start3A_10 = tpu.memref_squeeze %dma_start3A_9 : memref<1x128x128xf32, #tpu.memory_space<vmem>> -> memref<128x128xf32, #tpu.memory_space<vmem>>
    %dma_start3A_11 = arith.constant 0 : i32
    %dma_start3A_12 = tpu.memref_slice %arg7[%dma_start3A_11] : memref<512xi32, #tpu.memory_space<vmem>> -> memref<128xi32, #tpu.memory_space<vmem>>
    %dma_start3A_13 = arith.constant 0 : i32
    %dma_start3A_14 = arith.constant 0 : i32
    %dma_start3A_15 = tpu.memref_slice %arg13[%dma_start3A_13, %dma_start3A_14] : memref<1000x128xf32, #tpu.memory_space<vmem_shared>> -> memref<1000x128xf32, #tpu.memory_space<vmem_shared>>
    tpu.enqueue_indirect_dma source(%dma_start3A_15 : memref<1000x128xf32, #tpu.memory_space<vmem_shared>>) target(%dma_start3A_10 : memref<128x128xf32, #tpu.memory_space<vmem>>) offsets(%dma_start3A_12 : memref<128xi32, #tpu.memory_space<vmem>>) semaphore(%arg16 : memref<!tpu.dma_semaphore, #tpu.memory_space<semaphore_mem>>)
    %dma_start3A_16 = arith.constant 0 : i32
    %dma_start3A_17 = arith.constant 0 : i32
    %dma_start3A_18 = arith.constant 0 : i32
    %dma_start3A_19 = tpu.memref_slice %arg8[%dma_start3A_16, %dma_start3A_17, %dma_start3A_18] : memref<2x128x128xf32, #tpu.memory_space<vmem>> -> memref<1x128x128xf32, #tpu.memory_space<vmem>>
    %dma_start3A_20 = tpu.memref_squeeze %dma_start3A_19 : memref<1x128x128xf32, #tpu.memory_space<vmem>> -> memref<128x128xf32, #tpu.memory_space<vmem>>
    %dma_start3A_21 = arith.constant 0 : i32
    %dma_start3A_22 = tpu.memref_slice %arg2[%add3A_6, %dma_start3A_21] : memref<16384x128xf32, #tpu.memory_space<hbm>> -> memref<128x128xf32, #tpu.memory_space<hbm>>
    %dma_start3A_23 = arith.constant 0 : i32
    %dma_start3A_24 = arith.constant 0 : i32
    %dma_start3A_25 = tpu.memref_slice %arg8[%dma_start3A_16, %dma_start3A_23, %dma_start3A_24] : memref<2x128x128xf32, #tpu.memory_space<vmem>> -> memref<1x128x128xf32, #tpu.memory_space<vmem>>
    %dma_start3A_26 = tpu.memref_squeeze %dma_start3A_25 : memref<1x128x128xf32, #tpu.memory_space<vmem>> -> memref<128x128xf32, #tpu.memory_space<vmem>>
    %dma_start3A_27 = arith.constant 0 : i32
    %dma_start3A_28 = tpu.memref_slice %arg2[%add3A_6, %dma_start3A_27] : memref<16384x128xf32, #tpu.memory_space<hbm>> -> memref<128x128xf32, #tpu.memory_space<hbm>>
    tpu.enqueue_dma source(%dma_start3A_28 : memref<128x128xf32, #tpu.memory_space<hbm>>) target(%dma_start3A_26 : memref<128x128xf32, #tpu.memory_space<vmem>>) target_semaphore(%arg14 : memref<!tpu.dma_semaphore, #tpu.memory_space<semaphore_mem>>)
    %dma_start3A_29 = arith.constant 0 : i32
    %dma_start3A_30 = arith.constant 0 : i32
    %dma_start3A_31 = arith.constant 0 : i32
    %dma_start3A_32 = tpu.memref_slice %arg9[%dma_start3A_29, %dma_start3A_30, %dma_start3A_31] : memref<2x128x128xf32, #tpu.memory_space<vmem>> -> memref<1x128x128xf32, #tpu.memory_space<vmem>>
    %dma_start3A_33 = tpu.memref_squeeze %dma_start3A_32 : memref<1x128x128xf32, #tpu.memory_space<vmem>> -> memref<128x128xf32, #tpu.memory_space<vmem>>
    %dma_start3A_34 = arith.constant 0 : i32
    %dma_start3A_35 = tpu.memref_slice %arg3[%add3A_6, %dma_start3A_34] : memref<16384x128xf32, #tpu.memory_space<hbm>> -> memref<128x128xf32, #tpu.memory_space<hbm>>
    %dma_start3A_36 = arith.constant 0 : i32
    %dma_start3A_37 = arith.constant 0 : i32
    %dma_start3A_38 = tpu.memref_slice %arg9[%dma_start3A_29, %dma_start3A_36, %dma_start3A_37] : memref<2x128x128xf32, #tpu.memory_space<vmem>> -> memref<1x128x128xf32, #tpu.memory_space<vmem>>
    %dma_start3A_39 = tpu.memref_squeeze %dma_start3A_38 : memref<1x128x128xf32, #tpu.memory_space<vmem>> -> memref<128x128xf32, #tpu.memory_space<vmem>>
    %dma_start3A_40 = arith.constant 0 : i32
    %dma_start3A_41 = tpu.memref_slice %arg3[%add3A_6, %dma_start3A_40] : memref<16384x128xf32, #tpu.memory_space<hbm>> -> memref<128x128xf32, #tpu.memory_space<hbm>>
    tpu.enqueue_dma source(%dma_start3A_41 : memref<128x128xf32, #tpu.memory_space<hbm>>) target(%dma_start3A_39 : memref<128x128xf32, #tpu.memory_space<vmem>>) target_semaphore(%arg15 : memref<!tpu.dma_semaphore, #tpu.memory_space<semaphore_mem>>)
    %scan3A = arith.constant 0 : i32
    %scan3A_42 = arith.constant 0 : i32
    %scan3A_43 = arith.constant 4 : i32
    %scan3A_44 = arith.addi %scan3A_42, %scan3A_43 : i32
    %scan3A_45 = arith.constant 1 : i32
    %scan3A_46 = scf.for %scan3A_48 = %scan3A_42 to %scan3A_44 step %scan3A_45 iter_args(%scan3A_49 = %scan3A) -> (i32)  : i32 {
      %rem3A = arith.constant 2 : i32
      %rem3A_50 = arith.remsi %scan3A_48, %rem3A : i32
      %add3A_51 = arith.constant 1 : i32
      %add3A_52 = arith.addi %scan3A_48, %add3A_51 : i32
      %lt3A = arith.constant 4 : i32
      %lt3A_53 = arith.cmpi slt, %add3A_52, %lt3A : i32
      %convert_element_type3A_54 = arith.extui %lt3A_53 : i1 to i32
      %cond3A_55 = arith.constant 0 : i32
      %cond3A_56 = arith.cmpi ne, %convert_element_type3A_54, %cond3A_55 : i32
      scf.if %cond3A_56 {
        %add3A_103 = arith.constant 1 : i32
        %add3A_104 = arith.addi %scan3A_48, %add3A_103 : i32
        %add3A_105 = arith.constant 1 : i32
        %add3A_106 = arith.addi %scan3A_48, %add3A_105 : i32
        %rem3A_107 = arith.constant 2 : i32
        %rem3A_108 = arith.remsi %add3A_106, %rem3A_107 : i32
        %mul3A_109 = arith.constant 128 : i32
        %mul3A_110 = arith.muli %add3A_104, %mul3A_109 : i32
        %add3A_111 = arith.addi %mul3A_2, %mul3A_110 : i32
        %mul3A_112 = arith.constant 128 : i32
        %mul3A_113 = arith.muli %add3A_104, %mul3A_112 : i32
        %dma_start3A_114 = arith.constant 0 : i32
        %dma_start3A_115 = arith.constant 0 : i32
        %dma_start3A_116 = tpu.memref_slice %arg10[%rem3A_108, %dma_start3A_114, %dma_start3A_115] : memref<2x128x128xf32, #tpu.memory_space<vmem>> -> memref<1x128x128xf32, #tpu.memory_space<vmem>>
        %dma_start3A_117 = tpu.memref_squeeze %dma_start3A_116 : memref<1x128x128xf32, #tpu.memory_space<vmem>> -> memref<128x128xf32, #tpu.memory_space<vmem>>
        %dma_start3A_118 = tpu.memref_slice %arg7[%mul3A_113] : memref<512xi32, #tpu.memory_space<vmem>> -> memref<128xi32, #tpu.memory_space<vmem>>
        %dma_start3A_119 = arith.constant 0 : i32
        %dma_start3A_120 = arith.constant 0 : i32
        %dma_start3A_121 = tpu.memref_slice %arg13[%dma_start3A_119, %dma_start3A_120] : memref<1000x128xf32, #tpu.memory_space<vmem_shared>> -> memref<1000x128xf32, #tpu.memory_space<vmem_shared>>
        tpu.enqueue_indirect_dma source(%dma_start3A_121 : memref<1000x128xf32, #tpu.memory_space<vmem_shared>>) target(%dma_start3A_117 : memref<128x128xf32, #tpu.memory_space<vmem>>) offsets(%dma_start3A_118 : memref<128xi32, #tpu.memory_space<vmem>>) semaphore(%arg16 : memref<!tpu.dma_semaphore, #tpu.memory_space<semaphore_mem>>)
        %dma_start3A_122 = arith.constant 0 : i32
        %dma_start3A_123 = arith.constant 0 : i32
        %dma_start3A_124 = tpu.memref_slice %arg8[%rem3A_108, %dma_start3A_122, %dma_start3A_123] : memref<2x128x128xf32, #tpu.memory_space<vmem>> -> memref<1x128x128xf32, #tpu.memory_space<vmem>>
        %dma_start3A_125 = tpu.memref_squeeze %dma_start3A_124 : memref<1x128x128xf32, #tpu.memory_space<vmem>> -> memref<128x128xf32, #tpu.memory_space<vmem>>
        %dma_start3A_126 = arith.constant 0 : i32
        %dma_start3A_127 = tpu.memref_slice %arg2[%add3A_111, %dma_start3A_126] : memref<16384x128xf32, #tpu.memory_space<hbm>> -> memref<128x128xf32, #tpu.memory_space<hbm>>
        %dma_start3A_128 = arith.constant 0 : i32
        %dma_start3A_129 = arith.constant 0 : i32
        %dma_start3A_130 = tpu.memref_slice %arg8[%rem3A_108, %dma_start3A_128, %dma_start3A_129] : memref<2x128x128xf32, #tpu.memory_space<vmem>> -> memref<1x128x128xf32, #tpu.memory_space<vmem>>
        %dma_start3A_131 = tpu.memref_squeeze %dma_start3A_130 : memref<1x128x128xf32, #tpu.memory_space<vmem>> -> memref<128x128xf32, #tpu.memory_space<vmem>>
        %dma_start3A_132 = arith.constant 0 : i32
        %dma_start3A_133 = tpu.memref_slice %arg2[%add3A_111, %dma_start3A_132] : memref<16384x128xf32, #tpu.memory_space<hbm>> -> memref<128x128xf32, #tpu.memory_space<hbm>>
        tpu.enqueue_dma source(%dma_start3A_133 : memref<128x128xf32, #tpu.memory_space<hbm>>) target(%dma_start3A_131 : memref<128x128xf32, #tpu.memory_space<vmem>>) target_semaphore(%arg14 : memref<!tpu.dma_semaphore, #tpu.memory_space<semaphore_mem>>)
        %dma_start3A_134 = arith.constant 0 : i32
        %dma_start3A_135 = arith.constant 0 : i32
        %dma_start3A_136 = tpu.memref_slice %arg9[%rem3A_108, %dma_start3A_134, %dma_start3A_135] : memref<2x128x128xf32, #tpu.memory_space<vmem>> -> memref<1x128x128xf32, #tpu.memory_space<vmem>>
        %dma_start3A_137 = tpu.memref_squeeze %dma_start3A_136 : memref<1x128x128xf32, #tpu.memory_space<vmem>> -> memref<128x128xf32, #tpu.memory_space<vmem>>
        %dma_start3A_138 = arith.constant 0 : i32
        %dma_start3A_139 = tpu.memref_slice %arg3[%add3A_111, %dma_start3A_138] : memref<16384x128xf32, #tpu.memory_space<hbm>> -> memref<128x128xf32, #tpu.memory_space<hbm>>
        %dma_start3A_140 = arith.constant 0 : i32
        %dma_start3A_141 = arith.constant 0 : i32
        %dma_start3A_142 = tpu.memref_slice %arg9[%rem3A_108, %dma_start3A_140, %dma_start3A_141] : memref<2x128x128xf32, #tpu.memory_space<vmem>> -> memref<1x128x128xf32, #tpu.memory_space<vmem>>
        %dma_start3A_143 = tpu.memref_squeeze %dma_start3A_142 : memref<1x128x128xf32, #tpu.memory_space<vmem>> -> memref<128x128xf32, #tpu.memory_space<vmem>>
        %dma_start3A_144 = arith.constant 0 : i32
        %dma_start3A_145 = tpu.memref_slice %arg3[%add3A_111, %dma_start3A_144] : memref<16384x128xf32, #tpu.memory_space<hbm>> -> memref<128x128xf32, #tpu.memory_space<hbm>>
        tpu.enqueue_dma source(%dma_start3A_145 : memref<128x128xf32, #tpu.memory_space<hbm>>) target(%dma_start3A_143 : memref<128x128xf32, #tpu.memory_space<vmem>>) target_semaphore(%arg15 : memref<!tpu.dma_semaphore, #tpu.memory_space<semaphore_mem>>)
      } else {
      }
      %mul3A_57 = arith.constant 128 : i32
      %mul3A_58 = arith.muli %scan3A_48, %mul3A_57 : i32
      %dma_wait3A = arith.constant 0 : i32
      %dma_wait3A_59 = arith.constant 0 : i32
      %dma_wait3A_60 = tpu.memref_slice %arg10[%rem3A_50, %dma_wait3A, %dma_wait3A_59] : memref<2x128x128xf32, #tpu.memory_space<vmem>> -> memref<1x128x128xf32, #tpu.memory_space<vmem>>
      %dma_wait3A_61 = tpu.memref_squeeze %dma_wait3A_60 : memref<1x128x128xf32, #tpu.memory_space<vmem>> -> memref<128x128xf32, #tpu.memory_space<vmem>>
      %dma_wait3A_62 = tpu.memref_slice %arg7[%mul3A_58] : memref<512xi32, #tpu.memory_space<vmem>> -> memref<128xi32, #tpu.memory_space<vmem>>
      %dma_wait3A_63 = arith.constant 0 : i32
      %dma_wait3A_64 = arith.constant 0 : i32
      %dma_wait3A_65 = tpu.memref_slice %arg13[%dma_wait3A_63, %dma_wait3A_64] : memref<1000x128xf32, #tpu.memory_space<vmem_shared>> -> memref<1000x128xf32, #tpu.memory_space<vmem_shared>>
      tpu.wait_indirect_dma semaphore(%arg16 : memref<!tpu.dma_semaphore, #tpu.memory_space<semaphore_mem>>) src(%dma_wait3A_65 : memref<1000x128xf32, #tpu.memory_space<vmem_shared>>) dst(%dma_wait3A_61 : memref<128x128xf32, #tpu.memory_space<vmem>>)
      %dma_wait3A_66 = arith.constant 0 : i32
      %dma_wait3A_67 = arith.constant 0 : i32
      %dma_wait3A_68 = tpu.memref_slice %arg8[%rem3A_50, %dma_wait3A_66, %dma_wait3A_67] : memref<2x128x128xf32, #tpu.memory_space<vmem>> -> memref<1x128x128xf32, #tpu.memory_space<vmem>>
      %dma_wait3A_69 = tpu.memref_squeeze %dma_wait3A_68 : memref<1x128x128xf32, #tpu.memory_space<vmem>> -> memref<128x128xf32, #tpu.memory_space<vmem>>
      %dma_wait3A_70 = arith.constant 0 : i32
      %dma_wait3A_71 = arith.constant 0 : i32
      %dma_wait3A_72 = tpu.memref_slice %arg2[%dma_wait3A_70, %dma_wait3A_71] : memref<16384x128xf32, #tpu.memory_space<hbm>> -> memref<128x128xf32, #tpu.memory_space<hbm>>
      %dma_wait3A_73 = arith.constant 0 : i32
      %dma_wait3A_74 = arith.constant 0 : i32
      %dma_wait3A_75 = tpu.memref_slice %arg8[%rem3A_50, %dma_wait3A_73, %dma_wait3A_74] : memref<2x128x128xf32, #tpu.memory_space<vmem>> -> memref<1x128x128xf32, #tpu.memory_space<vmem>>
      %dma_wait3A_76 = tpu.memref_squeeze %dma_wait3A_75 : memref<1x128x128xf32, #tpu.memory_space<vmem>> -> memref<128x128xf32, #tpu.memory_space<vmem>>
      %dma_wait3A_77 = arith.constant 0 : i32
      %dma_wait3A_78 = arith.constant 0 : i32
      %dma_wait3A_79 = tpu.memref_slice %arg2[%dma_wait3A_77, %dma_wait3A_78] : memref<16384x128xf32, #tpu.memory_space<hbm>> -> memref<128x128xf32, #tpu.memory_space<hbm>>
      tpu.wait_dma2 semaphore(%arg14 : memref<!tpu.dma_semaphore, #tpu.memory_space<semaphore_mem>>) src(%dma_wait3A_79 : memref<128x128xf32, #tpu.memory_space<hbm>>) dst(%dma_wait3A_76 : memref<128x128xf32, #tpu.memory_space<vmem>>)
      %dma_wait3A_80 = arith.constant 0 : i32
      %dma_wait3A_81 = arith.constant 0 : i32
      %dma_wait3A_82 = tpu.memref_slice %arg9[%rem3A_50, %dma_wait3A_80, %dma_wait3A_81] : memref<2x128x128xf32, #tpu.memory_space<vmem>> -> memref<1x128x128xf32, #tpu.memory_space<vmem>>
      %dma_wait3A_83 = tpu.memref_squeeze %dma_wait3A_82 : memref<1x128x128xf32, #tpu.memory_space<vmem>> -> memref<128x128xf32, #tpu.memory_space<vmem>>
      %dma_wait3A_84 = arith.constant 0 : i32
      %dma_wait3A_85 = arith.constant 0 : i32
      %dma_wait3A_86 = tpu.memref_slice %arg3[%dma_wait3A_84, %dma_wait3A_85] : memref<16384x128xf32, #tpu.memory_space<hbm>> -> memref<128x128xf32, #tpu.memory_space<hbm>>
      %dma_wait3A_87 = arith.constant 0 : i32
      %dma_wait3A_88 = arith.constant 0 : i32
      %dma_wait3A_89 = tpu.memref_slice %arg9[%rem3A_50, %dma_wait3A_87, %dma_wait3A_88] : memref<2x128x128xf32, #tpu.memory_space<vmem>> -> memref<1x128x128xf32, #tpu.memory_space<vmem>>
      %dma_wait3A_90 = tpu.memref_squeeze %dma_wait3A_89 : memref<1x128x128xf32, #tpu.memory_space<vmem>> -> memref<128x128xf32, #tpu.memory_space<vmem>>
      %dma_wait3A_91 = arith.constant 0 : i32
      %dma_wait3A_92 = arith.constant 0 : i32
      %dma_wait3A_93 = tpu.memref_slice %arg3[%dma_wait3A_91, %dma_wait3A_92] : memref<16384x128xf32, #tpu.memory_space<hbm>> -> memref<128x128xf32, #tpu.memory_space<hbm>>
      tpu.wait_dma2 semaphore(%arg15 : memref<!tpu.dma_semaphore, #tpu.memory_space<semaphore_mem>>) src(%dma_wait3A_93 : memref<128x128xf32, #tpu.memory_space<hbm>>) dst(%dma_wait3A_90 : memref<128x128xf32, #tpu.memory_space<vmem>>)
      %mul3A_94 = arith.constant 128 : i32
      %mul3A_95 = arith.muli %scan3A_48, %mul3A_94 : i32
      %add3A_96 = arith.addi %mul3A_2, %mul3A_95 : i32
      %parallel_loop3A = arith.constant 0 : i32
      %parallel_loop3A_97 = arith.constant 128 : i32
      %parallel_loop3A_98 = arith.constant 1 : i32
      scf.for %parallel_loop3A_103 = %parallel_loop3A to %parallel_loop3A_97 step %parallel_loop3A_98  : i32 {
        %parallel_loop3A_104 = arith.constant 0 : i32
        %parallel_loop3A_105 = arith.constant 0 : i32
        %parallel_loop3A_106 = tpu.memref_slice %arg8[%rem3A_50, %parallel_loop3A_104, %parallel_loop3A_105] : memref<2x128x128xf32, #tpu.memory_space<vmem>> -> memref<1x128x128xf32, #tpu.memory_space<vmem>>
        %parallel_loop3A_107 = tpu.memref_squeeze %parallel_loop3A_106 : memref<1x128x128xf32, #tpu.memory_space<vmem>> -> memref<128x128xf32, #tpu.memory_space<vmem>>
        %parallel_loop3A_108 = arith.index_cast %parallel_loop3A_103 : i32 to index
        %parallel_loop3A_109 = arith.constant 0 : index
        %parallel_loop3A_110 = tpu.vector_load %parallel_loop3A_107[%parallel_loop3A_108, %parallel_loop3A_109] {strides = array<i32>} : memref<128x128xf32, #tpu.memory_space<vmem>>, vector<16xf32>,
        %parallel_loop3A_111 = arith.constant 0 : i32
        %parallel_loop3A_112 = arith.constant 0 : i32
        %parallel_loop3A_113 = tpu.memref_slice %arg10[%rem3A_50, %parallel_loop3A_111, %parallel_loop3A_112] : memref<2x128x128xf32, #tpu.memory_space<vmem>> -> memref<1x128x128xf32, #tpu.memory_space<vmem>>
        %parallel_loop3A_114 = tpu.memref_squeeze %parallel_loop3A_113 : memref<1x128x128xf32, #tpu.memory_space<vmem>> -> memref<128x128xf32, #tpu.memory_space<vmem>>
        %parallel_loop3A_115 = arith.index_cast %parallel_loop3A_103 : i32 to index
        %parallel_loop3A_116 = arith.constant 0 : index
        %parallel_loop3A_117 = tpu.vector_load %parallel_loop3A_114[%parallel_loop3A_115, %parallel_loop3A_116] {strides = array<i32>} : memref<128x128xf32, #tpu.memory_space<vmem>>, vector<16xf32>,
        %parallel_loop3A_118 = arith.mulf %parallel_loop3A_110, %parallel_loop3A_117 : vector<16xf32>
        %parallel_loop3A_119 = arith.constant 0 : i32
        %parallel_loop3A_120 = arith.constant 0 : i32
        %parallel_loop3A_121 = tpu.memref_slice %arg9[%rem3A_50, %parallel_loop3A_119, %parallel_loop3A_120] : memref<2x128x128xf32, #tpu.memory_space<vmem>> -> memref<1x128x128xf32, #tpu.memory_space<vmem>>
        %parallel_loop3A_122 = tpu.memref_squeeze %parallel_loop3A_121 : memref<1x128x128xf32, #tpu.memory_space<vmem>> -> memref<128x128xf32, #tpu.memory_space<vmem>>
        %parallel_loop3A_123 = arith.index_cast %parallel_loop3A_103 : i32 to index
        %parallel_loop3A_124 = arith.constant 0 : index
        %parallel_loop3A_125 = tpu.vector_load %parallel_loop3A_122[%parallel_loop3A_123, %parallel_loop3A_124] {strides = array<i32>} : memref<128x128xf32, #tpu.memory_space<vmem>>, vector<16xf32>,
        %parallel_loop3A_126 = arith.mulf %parallel_loop3A_118, %parallel_loop3A_125 : vector<16xf32>
        %parallel_loop3A_127 = arith.constant 0 : i32
        %parallel_loop3A_128 = arith.constant 0 : i32
        %parallel_loop3A_129 = tpu.memref_slice %arg8[%rem3A_50, %parallel_loop3A_127, %parallel_loop3A_128] : memref<2x128x128xf32, #tpu.memory_space<vmem>> -> memref<1x128x128xf32, #tpu.memory_space<vmem>>
        %parallel_loop3A_130 = tpu.memref_squeeze %parallel_loop3A_129 : memref<1x128x128xf32, #tpu.memory_space<vmem>> -> memref<128x128xf32, #tpu.memory_space<vmem>>
        %parallel_loop3A_131 = arith.index_cast %parallel_loop3A_103 : i32 to index
        %parallel_loop3A_132 = arith.constant 16 : index
        %parallel_loop3A_133 = tpu.vector_load %parallel_loop3A_130[%parallel_loop3A_131, %parallel_loop3A_132] {strides = array<i32>} : memref<128x128xf32, #tpu.memory_space<vmem>>, vector<16xf32>,
        %parallel_loop3A_134 = arith.constant 0 : i32
        %parallel_loop3A_135 = arith.constant 0 : i32
        %parallel_loop3A_136 = tpu.memref_slice %arg10[%rem3A_50, %parallel_loop3A_134, %parallel_loop3A_135] : memref<2x128x128xf32, #tpu.memory_space<vmem>> -> memref<1x128x128xf32, #tpu.memory_space<vmem>>
        %parallel_loop3A_137 = tpu.memref_squeeze %parallel_loop3A_136 : memref<1x128x128xf32, #tpu.memory_space<vmem>> -> memref<128x128xf32, #tpu.memory_space<vmem>>
        %parallel_loop3A_138 = arith.index_cast %parallel_loop3A_103 : i32 to index
        %parallel_loop3A_139 = arith.constant 16 : index
        %parallel_loop3A_140 = tpu.vector_load %parallel_loop3A_137[%parallel_loop3A_138, %parallel_loop3A_139] {strides = array<i32>} : memref<128x128xf32, #tpu.memory_space<vmem>>, vector<16xf32>,
        %parallel_loop3A_141 = arith.mulf %parallel_loop3A_133, %parallel_loop3A_140 : vector<16xf32>
        %parallel_loop3A_142 = arith.constant 0 : i32
        %parallel_loop3A_143 = arith.constant 0 : i32
        %parallel_loop3A_144 = tpu.memref_slice %arg9[%rem3A_50, %parallel_loop3A_142, %parallel_loop3A_143] : memref<2x128x128xf32, #tpu.memory_space<vmem>> -> memref<1x128x128xf32, #tpu.memory_space<vmem>>
        %parallel_loop3A_145 = tpu.memref_squeeze %parallel_loop3A_144 : memref<1x128x128xf32, #tpu.memory_space<vmem>> -> memref<128x128xf32, #tpu.memory_space<vmem>>
        %parallel_loop3A_146 = arith.index_cast %parallel_loop3A_103 : i32 to index
        %parallel_loop3A_147 = arith.constant 16 : index
        %parallel_loop3A_148 = tpu.vector_load %parallel_loop3A_145[%parallel_loop3A_146, %parallel_loop3A_147] {strides = array<i32>} : memref<128x128xf32, #tpu.memory_space<vmem>>, vector<16xf32>,
        %parallel_loop3A_149 = arith.mulf %parallel_loop3A_141, %parallel_loop3A_148 : vector<16xf32>
        %parallel_loop3A_150 = arith.addf %parallel_loop3A_126, %parallel_loop3A_149 : vector<16xf32>
        %parallel_loop3A_151 = arith.constant 0 : i32
        %parallel_loop3A_152 = arith.constant 0 : i32
        %parallel_loop3A_153 = tpu.memref_slice %arg8[%rem3A_50, %parallel_loop3A_151, %parallel_loop3A_152] : memref<2x128x128xf32, #tpu.memory_space<vmem>> -> memref<1x128x128xf32, #tpu.memory_space<vmem>>
        %parallel_loop3A_154 = tpu.memref_squeeze %parallel_loop3A_153 : memref<1x128x128xf32, #tpu.memory_space<vmem>> -> memref<128x128xf32, #tpu.memory_space<vmem>>
        %parallel_loop3A_155 = arith.index_cast %parallel_loop3A_103 : i32 to index
        %parallel_loop3A_156 = arith.constant 32 : index
        %parallel_loop3A_157 = tpu.vector_load %parallel_loop3A_154[%parallel_loop3A_155, %parallel_loop3A_156] {strides = array<i32>} : memref<128x128xf32, #tpu.memory_space<vmem>>, vector<16xf32>,
        %parallel_loop3A_158 = arith.constant 0 : i32
        %parallel_loop3A_159 = arith.constant 0 : i32
        %parallel_loop3A_160 = tpu.memref_slice %arg10[%rem3A_50, %parallel_loop3A_158, %parallel_loop3A_159] : memref<2x128x128xf32, #tpu.memory_space<vmem>> -> memref<1x128x128xf32, #tpu.memory_space<vmem>>
        %parallel_loop3A_161 = tpu.memref_squeeze %parallel_loop3A_160 : memref<1x128x128xf32, #tpu.memory_space<vmem>> -> memref<128x128xf32, #tpu.memory_space<vmem>>
        %parallel_loop3A_162 = arith.index_cast %parallel_loop3A_103 : i32 to index
        %parallel_loop3A_163 = arith.constant 32 : index
        %parallel_loop3A_164 = tpu.vector_load %parallel_loop3A_161[%parallel_loop3A_162, %parallel_loop3A_163] {strides = array<i32>} : memref<128x128xf32, #tpu.memory_space<vmem>>, vector<16xf32>,
        %parallel_loop3A_165 = arith.mulf %parallel_loop3A_157, %parallel_loop3A_164 : vector<16xf32>
        %parallel_loop3A_166 = arith.constant 0 : i32
        %parallel_loop3A_167 = arith.constant 0 : i32
        %parallel_loop3A_168 = tpu.memref_slice %arg9[%rem3A_50, %parallel_loop3A_166, %parallel_loop3A_167] : memref<2x128x128xf32, #tpu.memory_space<vmem>> -> memref<1x128x128xf32, #tpu.memory_space<vmem>>
        %parallel_loop3A_169 = tpu.memref_squeeze %parallel_loop3A_168 : memref<1x128x128xf32, #tpu.memory_space<vmem>> -> memref<128x128xf32, #tpu.memory_space<vmem>>
        %parallel_loop3A_170 = arith.index_cast %parallel_loop3A_103 : i32 to index
        %parallel_loop3A_171 = arith.constant 32 : index
        %parallel_loop3A_172 = tpu.vector_load %parallel_loop3A_169[%parallel_loop3A_170, %parallel_loop3A_171] {strides = array<i32>} : memref<128x128xf32, #tpu.memory_space<vmem>>, vector<16xf32>,
        %parallel_loop3A_173 = arith.mulf %parallel_loop3A_165, %parallel_loop3A_172 : vector<16xf32>
        %parallel_loop3A_174 = arith.addf %parallel_loop3A_150, %parallel_loop3A_173 : vector<16xf32>
        %parallel_loop3A_175 = arith.constant 0 : i32
        %parallel_loop3A_176 = arith.constant 0 : i32
        %parallel_loop3A_177 = tpu.memref_slice %arg8[%rem3A_50, %parallel_loop3A_175, %parallel_loop3A_176] : memref<2x128x128xf32, #tpu.memory_space<vmem>> -> memref<1x128x128xf32, #tpu.memory_space<vmem>>
        %parallel_loop3A_178 = tpu.memref_squeeze %parallel_loop3A_177 : memref<1x128x128xf32, #tpu.memory_space<vmem>> -> memref<128x128xf32, #tpu.memory_space<vmem>>
        %parallel_loop3A_179 = arith.index_cast %parallel_loop3A_103 : i32 to index
        %parallel_loop3A_180 = arith.constant 48 : index
        %parallel_loop3A_181 = tpu.vector_load %parallel_loop3A_178[%parallel_loop3A_179, %parallel_loop3A_180] {strides = array<i32>} : memref<128x128xf32, #tpu.memory_space<vmem>>, vector<16xf32>,
        %parallel_loop3A_182 = arith.constant 0 : i32
        %parallel_loop3A_183 = arith.constant 0 : i32
        %parallel_loop3A_184 = tpu.memref_slice %arg10[%rem3A_50, %parallel_loop3A_182, %parallel_loop3A_183] : memref<2x128x128xf32, #tpu.memory_space<vmem>> -> memref<1x128x128xf32, #tpu.memory_space<vmem>>
        %parallel_loop3A_185 = tpu.memref_squeeze %parallel_loop3A_184 : memref<1x128x128xf32, #tpu.memory_space<vmem>> -> memref<128x128xf32, #tpu.memory_space<vmem>>
        %parallel_loop3A_186 = arith.index_cast %parallel_loop3A_103 : i32 to index
        %parallel_loop3A_187 = arith.constant 48 : index
        %parallel_loop3A_188 = tpu.vector_load %parallel_loop3A_185[%parallel_loop3A_186, %parallel_loop3A_187] {strides = array<i32>} : memref<128x128xf32, #tpu.memory_space<vmem>>, vector<16xf32>,
        %parallel_loop3A_189 = arith.mulf %parallel_loop3A_181, %parallel_loop3A_188 : vector<16xf32>
        %parallel_loop3A_190 = arith.constant 0 : i32
        %parallel_loop3A_191 = arith.constant 0 : i32
        %parallel_loop3A_192 = tpu.memref_slice %arg9[%rem3A_50, %parallel_loop3A_190, %parallel_loop3A_191] : memref<2x128x128xf32, #tpu.memory_space<vmem>> -> memref<1x128x128xf32, #tpu.memory_space<vmem>>
        %parallel_loop3A_193 = tpu.memref_squeeze %parallel_loop3A_192 : memref<1x128x128xf32, #tpu.memory_space<vmem>> -> memref<128x128xf32, #tpu.memory_space<vmem>>
        %parallel_loop3A_194 = arith.index_cast %parallel_loop3A_103 : i32 to index
        %parallel_loop3A_195 = arith.constant 48 : index
        %parallel_loop3A_196 = tpu.vector_load %parallel_loop3A_193[%parallel_loop3A_194, %parallel_loop3A_195] {strides = array<i32>} : memref<128x128xf32, #tpu.memory_space<vmem>>, vector<16xf32>,
        %parallel_loop3A_197 = arith.mulf %parallel_loop3A_189, %parallel_loop3A_196 : vector<16xf32>
        %parallel_loop3A_198 = arith.addf %parallel_loop3A_174, %parallel_loop3A_197 : vector<16xf32>
        %parallel_loop3A_199 = arith.constant 0 : i32
        %parallel_loop3A_200 = arith.constant 0 : i32
        %parallel_loop3A_201 = tpu.memref_slice %arg8[%rem3A_50, %parallel_loop3A_199, %parallel_loop3A_200] : memref<2x128x128xf32, #tpu.memory_space<vmem>> -> memref<1x128x128xf32, #tpu.memory_space<vmem>>
        %parallel_loop3A_202 = tpu.memref_squeeze %parallel_loop3A_201 : memref<1x128x128xf32, #tpu.memory_space<vmem>> -> memref<128x128xf32, #tpu.memory_space<vmem>>
        %parallel_loop3A_203 = arith.index_cast %parallel_loop3A_103 : i32 to index
        %parallel_loop3A_204 = arith.constant 64 : index
        %parallel_loop3A_205 = tpu.vector_load %parallel_loop3A_202[%parallel_loop3A_203, %parallel_loop3A_204] {strides = array<i32>} : memref<128x128xf32, #tpu.memory_space<vmem>>, vector<16xf32>,
        %parallel_loop3A_206 = arith.constant 0 : i32
        %parallel_loop3A_207 = arith.constant 0 : i32
        %parallel_loop3A_208 = tpu.memref_slice %arg10[%rem3A_50, %parallel_loop3A_206, %parallel_loop3A_207] : memref<2x128x128xf32, #tpu.memory_space<vmem>> -> memref<1x128x128xf32, #tpu.memory_space<vmem>>
        %parallel_loop3A_209 = tpu.memref_squeeze %parallel_loop3A_208 : memref<1x128x128xf32, #tpu.memory_space<vmem>> -> memref<128x128xf32, #tpu.memory_space<vmem>>
        %parallel_loop3A_210 = arith.index_cast %parallel_loop3A_103 : i32 to index
        %parallel_loop3A_211 = arith.constant 64 : index
        %parallel_loop3A_212 = tpu.vector_load %parallel_loop3A_209[%parallel_loop3A_210, %parallel_loop3A_211] {strides = array<i32>} : memref<128x128xf32, #tpu.memory_space<vmem>>, vector<16xf32>,
        %parallel_loop3A_213 = arith.mulf %parallel_loop3A_205, %parallel_loop3A_212 : vector<16xf32>
        %parallel_loop3A_214 = arith.constant 0 : i32
        %parallel_loop3A_215 = arith.constant 0 : i32
        %parallel_loop3A_216 = tpu.memref_slice %arg9[%rem3A_50, %parallel_loop3A_214, %parallel_loop3A_215] : memref<2x128x128xf32, #tpu.memory_space<vmem>> -> memref<1x128x128xf32, #tpu.memory_space<vmem>>
        %parallel_loop3A_217 = tpu.memref_squeeze %parallel_loop3A_216 : memref<1x128x128xf32, #tpu.memory_space<vmem>> -> memref<128x128xf32, #tpu.memory_space<vmem>>
        %parallel_loop3A_218 = arith.index_cast %parallel_loop3A_103 : i32 to index
        %parallel_loop3A_219 = arith.constant 64 : index
        %parallel_loop3A_220 = tpu.vector_load %parallel_loop3A_217[%parallel_loop3A_218, %parallel_loop3A_219] {strides = array<i32>} : memref<128x128xf32, #tpu.memory_space<vmem>>, vector<16xf32>,
        %parallel_loop3A_221 = arith.mulf %parallel_loop3A_213, %parallel_loop3A_220 : vector<16xf32>
        %parallel_loop3A_222 = arith.addf %parallel_loop3A_198, %parallel_loop3A_221 : vector<16xf32>
        %parallel_loop3A_223 = arith.constant 0 : i32
        %parallel_loop3A_224 = arith.constant 0 : i32
        %parallel_loop3A_225 = tpu.memref_slice %arg8[%rem3A_50, %parallel_loop3A_223, %parallel_loop3A_224] : memref<2x128x128xf32, #tpu.memory_space<vmem>> -> memref<1x128x128xf32, #tpu.memory_space<vmem>>
        %parallel_loop3A_226 = tpu.memref_squeeze %parallel_loop3A_225 : memref<1x128x128xf32, #tpu.memory_space<vmem>> -> memref<128x128xf32, #tpu.memory_space<vmem>>
        %parallel_loop3A_227 = arith.index_cast %parallel_loop3A_103 : i32 to index
        %parallel_loop3A_228 = arith.constant 80 : index
        %parallel_loop3A_229 = tpu.vector_load %parallel_loop3A_226[%parallel_loop3A_227, %parallel_loop3A_228] {strides = array<i32>} : memref<128x128xf32, #tpu.memory_space<vmem>>, vector<16xf32>,
        %parallel_loop3A_230 = arith.constant 0 : i32
        %parallel_loop3A_231 = arith.constant 0 : i32
        %parallel_loop3A_232 = tpu.memref_slice %arg10[%rem3A_50, %parallel_loop3A_230, %parallel_loop3A_231] : memref<2x128x128xf32, #tpu.memory_space<vmem>> -> memref<1x128x128xf32, #tpu.memory_space<vmem>>
        %parallel_loop3A_233 = tpu.memref_squeeze %parallel_loop3A_232 : memref<1x128x128xf32, #tpu.memory_space<vmem>> -> memref<128x128xf32, #tpu.memory_space<vmem>>
        %parallel_loop3A_234 = arith.index_cast %parallel_loop3A_103 : i32 to index
        %parallel_loop3A_235 = arith.constant 80 : index
        %parallel_loop3A_236 = tpu.vector_load %parallel_loop3A_233[%parallel_loop3A_234, %parallel_loop3A_235] {strides = array<i32>} : memref<128x128xf32, #tpu.memory_space<vmem>>, vector<16xf32>,
        %parallel_loop3A_237 = arith.mulf %parallel_loop3A_229, %parallel_loop3A_236 : vector<16xf32>
        %parallel_loop3A_238 = arith.constant 0 : i32
        %parallel_loop3A_239 = arith.constant 0 : i32
        %parallel_loop3A_240 = tpu.memref_slice %arg9[%rem3A_50, %parallel_loop3A_238, %parallel_loop3A_239] : memref<2x128x128xf32, #tpu.memory_space<vmem>> -> memref<1x128x128xf32, #tpu.memory_space<vmem>>
        %parallel_loop3A_241 = tpu.memref_squeeze %parallel_loop3A_240 : memref<1x128x128xf32, #tpu.memory_space<vmem>> -> memref<128x128xf32, #tpu.memory_space<vmem>>
        %parallel_loop3A_242 = arith.index_cast %parallel_loop3A_103 : i32 to index
        %parallel_loop3A_243 = arith.constant 80 : index
        %parallel_loop3A_244 = tpu.vector_load %parallel_loop3A_241[%parallel_loop3A_242, %parallel_loop3A_243] {strides = array<i32>} : memref<128x128xf32, #tpu.memory_space<vmem>>, vector<16xf32>,
        %parallel_loop3A_245 = arith.mulf %parallel_loop3A_237, %parallel_loop3A_244 : vector<16xf32>
        %parallel_loop3A_246 = arith.addf %parallel_loop3A_222, %parallel_loop3A_245 : vector<16xf32>
        %parallel_loop3A_247 = arith.constant 0 : i32
        %parallel_loop3A_248 = arith.constant 0 : i32
        %parallel_loop3A_249 = tpu.memref_slice %arg8[%rem3A_50, %parallel_loop3A_247, %parallel_loop3A_248] : memref<2x128x128xf32, #tpu.memory_space<vmem>> -> memref<1x128x128xf32, #tpu.memory_space<vmem>>
        %parallel_loop3A_250 = tpu.memref_squeeze %parallel_loop3A_249 : memref<1x128x128xf32, #tpu.memory_space<vmem>> -> memref<128x128xf32, #tpu.memory_space<vmem>>
        %parallel_loop3A_251 = arith.index_cast %parallel_loop3A_103 : i32 to index
        %parallel_loop3A_252 = arith.constant 96 : index
        %parallel_loop3A_253 = tpu.vector_load %parallel_loop3A_250[%parallel_loop3A_251, %parallel_loop3A_252] {strides = array<i32>} : memref<128x128xf32, #tpu.memory_space<vmem>>, vector<16xf32>,
        %parallel_loop3A_254 = arith.constant 0 : i32
        %parallel_loop3A_255 = arith.constant 0 : i32
        %parallel_loop3A_256 = tpu.memref_slice %arg10[%rem3A_50, %parallel_loop3A_254, %parallel_loop3A_255] : memref<2x128x128xf32, #tpu.memory_space<vmem>> -> memref<1x128x128xf32, #tpu.memory_space<vmem>>
        %parallel_loop3A_257 = tpu.memref_squeeze %parallel_loop3A_256 : memref<1x128x128xf32, #tpu.memory_space<vmem>> -> memref<128x128xf32, #tpu.memory_space<vmem>>
        %parallel_loop3A_258 = arith.index_cast %parallel_loop3A_103 : i32 to index
        %parallel_loop3A_259 = arith.constant 96 : index
        %parallel_loop3A_260 = tpu.vector_load %parallel_loop3A_257[%parallel_loop3A_258, %parallel_loop3A_259] {strides = array<i32>} : memref<128x128xf32, #tpu.memory_space<vmem>>, vector<16xf32>,
        %parallel_loop3A_261 = arith.mulf %parallel_loop3A_253, %parallel_loop3A_260 : vector<16xf32>
        %parallel_loop3A_262 = arith.constant 0 : i32
        %parallel_loop3A_263 = arith.constant 0 : i32
        %parallel_loop3A_264 = tpu.memref_slice %arg9[%rem3A_50, %parallel_loop3A_262, %parallel_loop3A_263] : memref<2x128x128xf32, #tpu.memory_space<vmem>> -> memref<1x128x128xf32, #tpu.memory_space<vmem>>
        %parallel_loop3A_265 = tpu.memref_squeeze %parallel_loop3A_264 : memref<1x128x128xf32, #tpu.memory_space<vmem>> -> memref<128x128xf32, #tpu.memory_space<vmem>>
        %parallel_loop3A_266 = arith.index_cast %parallel_loop3A_103 : i32 to index
        %parallel_loop3A_267 = arith.constant 96 : index
        %parallel_loop3A_268 = tpu.vector_load %parallel_loop3A_265[%parallel_loop3A_266, %parallel_loop3A_267] {strides = array<i32>} : memref<128x128xf32, #tpu.memory_space<vmem>>, vector<16xf32>,
        %parallel_loop3A_269 = arith.mulf %parallel_loop3A_261, %parallel_loop3A_268 : vector<16xf32>
        %parallel_loop3A_270 = arith.addf %parallel_loop3A_246, %parallel_loop3A_269 : vector<16xf32>
        %parallel_loop3A_271 = arith.constant 0 : i32
        %parallel_loop3A_272 = arith.constant 0 : i32
        %parallel_loop3A_273 = tpu.memref_slice %arg8[%rem3A_50, %parallel_loop3A_271, %parallel_loop3A_272] : memref<2x128x128xf32, #tpu.memory_space<vmem>> -> memref<1x128x128xf32, #tpu.memory_space<vmem>>
        %parallel_loop3A_274 = tpu.memref_squeeze %parallel_loop3A_273 : memref<1x128x128xf32, #tpu.memory_space<vmem>> -> memref<128x128xf32, #tpu.memory_space<vmem>>
        %parallel_loop3A_275 = arith.index_cast %parallel_loop3A_103 : i32 to index
        %parallel_loop3A_276 = arith.constant 112 : index
        %parallel_loop3A_277 = tpu.vector_load %parallel_loop3A_274[%parallel_loop3A_275, %parallel_loop3A_276] {strides = array<i32>} : memref<128x128xf32, #tpu.memory_space<vmem>>, vector<16xf32>,
        %parallel_loop3A_278 = arith.constant 0 : i32
        %parallel_loop3A_279 = arith.constant 0 : i32
        %parallel_loop3A_280 = tpu.memref_slice %arg10[%rem3A_50, %parallel_loop3A_278, %parallel_loop3A_279] : memref<2x128x128xf32, #tpu.memory_space<vmem>> -> memref<1x128x128xf32, #tpu.memory_space<vmem>>
        %parallel_loop3A_281 = tpu.memref_squeeze %parallel_loop3A_280 : memref<1x128x128xf32, #tpu.memory_space<vmem>> -> memref<128x128xf32, #tpu.memory_space<vmem>>
        %parallel_loop3A_282 = arith.index_cast %parallel_loop3A_103 : i32 to index
        %parallel_loop3A_283 = arith.constant 112 : index
        %parallel_loop3A_284 = tpu.vector_load %parallel_loop3A_281[%parallel_loop3A_282, %parallel_loop3A_283] {strides = array<i32>} : memref<128x128xf32, #tpu.memory_space<vmem>>, vector<16xf32>,
        %parallel_loop3A_285 = arith.mulf %parallel_loop3A_277, %parallel_loop3A_284 : vector<16xf32>
        %parallel_loop3A_286 = arith.constant 0 : i32
        %parallel_loop3A_287 = arith.constant 0 : i32
        %parallel_loop3A_288 = tpu.memref_slice %arg9[%rem3A_50, %parallel_loop3A_286, %parallel_loop3A_287] : memref<2x128x128xf32, #tpu.memory_space<vmem>> -> memref<1x128x128xf32, #tpu.memory_space<vmem>>
        %parallel_loop3A_289 = tpu.memref_squeeze %parallel_loop3A_288 : memref<1x128x128xf32, #tpu.memory_space<vmem>> -> memref<128x128xf32, #tpu.memory_space<vmem>>
        %parallel_loop3A_290 = arith.index_cast %parallel_loop3A_103 : i32 to index
        %parallel_loop3A_291 = arith.constant 112 : index
        %parallel_loop3A_292 = tpu.vector_load %parallel_loop3A_289[%parallel_loop3A_290, %parallel_loop3A_291] {strides = array<i32>} : memref<128x128xf32, #tpu.memory_space<vmem>>, vector<16xf32>,
        %parallel_loop3A_293 = arith.mulf %parallel_loop3A_285, %parallel_loop3A_292 : vector<16xf32>
        %parallel_loop3A_294 = arith.addf %parallel_loop3A_270, %parallel_loop3A_293 : vector<16xf32>
        %parallel_loop3A_295 = arith.constant 16 : i32
        %parallel_loop3A_296 = arith.divsi %parallel_loop3A_103, %parallel_loop3A_295 : i32
        %parallel_loop3A_297 = arith.constant 16 : i32
        %parallel_loop3A_298 = arith.remsi %parallel_loop3A_103, %parallel_loop3A_297 : i32
        %parallel_loop3A_299 = arith.constant 256 : i32
        %parallel_loop3A_300 = arith.muli %parallel_loop3A_296, %parallel_loop3A_299 : i32
        %parallel_loop3A_301 = arith.constant 16 : i32
        %parallel_loop3A_302 = vector.broadcast %parallel_loop3A_301 : i32 to vector<16xi32>
        %parallel_loop3A_303 = arith.muli %iota3A, %parallel_loop3A_302 : vector<16xi32>
        %parallel_loop3A_304 = vector.broadcast %parallel_loop3A_300 : i32 to vector<16xi32>
        %parallel_loop3A_305 = arith.addi %parallel_loop3A_304, %parallel_loop3A_303 : vector<16xi32>
        %parallel_loop3A_306 = vector.broadcast %parallel_loop3A_298 : i32 to vector<16xi32>
        %parallel_loop3A_307 = arith.addi %parallel_loop3A_305, %parallel_loop3A_306 : vector<16xi32>
        tpu.vector_store_idx %arg12[%parallel_loop3A_307], %parallel_loop3A_294 : memref<2048xf32, #tpu.memory_space<vmem>>[vector<16xi32>], vector<16xf32>,
      } {sc.loop_unroll_factor = 2 : i64, sc.parallel_access}
      %parallel_loop3A_99 = arith.constant 0 : i32
      %parallel_loop3A_100 = arith.constant 8 : i32
      %parallel_loop3A_101 = arith.constant 1 : i32
      scf.for %parallel_loop3A_103 = %parallel_loop3A_99 to %parallel_loop3A_100 step %parallel_loop3A_101  : i32 {
        %parallel_loop3A_104 = arith.constant 256 : i32
        %parallel_loop3A_105 = arith.muli %parallel_loop3A_103, %parallel_loop3A_104 : i32
        %parallel_loop3A_106 = arith.constant 0 : i32
        %parallel_loop3A_107 = arith.addi %parallel_loop3A_105, %parallel_loop3A_106 : i32
        %parallel_loop3A_108 = arith.index_cast %parallel_loop3A_107 : i32 to index
        %parallel_loop3A_109 = tpu.vector_load %arg12[%parallel_loop3A_108] {strides = array<i32>} : memref<2048xf32, #tpu.memory_space<vmem>>, vector<16xf32>,
        %parallel_loop3A_110 = arith.constant 16 : i32
        %parallel_loop3A_111 = arith.addi %parallel_loop3A_105, %parallel_loop3A_110 : i32
        %parallel_loop3A_112 = arith.index_cast %parallel_loop3A_111 : i32 to index
        %parallel_loop3A_113 = tpu.vector_load %arg12[%parallel_loop3A_112] {strides = array<i32>} : memref<2048xf32, #tpu.memory_space<vmem>>, vector<16xf32>,
        %parallel_loop3A_114 = arith.constant 32 : i32
        %parallel_loop3A_115 = arith.addi %parallel_loop3A_105, %parallel_loop3A_114 : i32
        %parallel_loop3A_116 = arith.index_cast %parallel_loop3A_115 : i32 to index
        %parallel_loop3A_117 = tpu.vector_load %arg12[%parallel_loop3A_116] {strides = array<i32>} : memref<2048xf32, #tpu.memory_space<vmem>>, vector<16xf32>,
        %parallel_loop3A_118 = arith.constant 48 : i32
        %parallel_loop3A_119 = arith.addi %parallel_loop3A_105, %parallel_loop3A_118 : i32
        %parallel_loop3A_120 = arith.index_cast %parallel_loop3A_119 : i32 to index
        %parallel_loop3A_121 = tpu.vector_load %arg12[%parallel_loop3A_120] {strides = array<i32>} : memref<2048xf32, #tpu.memory_space<vmem>>, vector<16xf32>,
        %parallel_loop3A_122 = arith.constant 64 : i32
        %parallel_loop3A_123 = arith.addi %parallel_loop3A_105, %parallel_loop3A_122 : i32
        %parallel_loop3A_124 = arith.index_cast %parallel_loop3A_123 : i32 to index
        %parallel_loop3A_125 = tpu.vector_load %arg12[%parallel_loop3A_124] {strides = array<i32>} : memref<2048xf32, #tpu.memory_space<vmem>>, vector<16xf32>,
        %parallel_loop3A_126 = arith.constant 80 : i32
        %parallel_loop3A_127 = arith.addi %parallel_loop3A_105, %parallel_loop3A_126 : i32
        %parallel_loop3A_128 = arith.index_cast %parallel_loop3A_127 : i32 to index
        %parallel_loop3A_129 = tpu.vector_load %arg12[%parallel_loop3A_128] {strides = array<i32>} : memref<2048xf32, #tpu.memory_space<vmem>>, vector<16xf32>,
        %parallel_loop3A_130 = arith.constant 96 : i32
        %parallel_loop3A_131 = arith.addi %parallel_loop3A_105, %parallel_loop3A_130 : i32
        %parallel_loop3A_132 = arith.index_cast %parallel_loop3A_131 : i32 to index
        %parallel_loop3A_133 = tpu.vector_load %arg12[%parallel_loop3A_132] {strides = array<i32>} : memref<2048xf32, #tpu.memory_space<vmem>>, vector<16xf32>,
        %parallel_loop3A_134 = arith.constant 112 : i32
        %parallel_loop3A_135 = arith.addi %parallel_loop3A_105, %parallel_loop3A_134 : i32
        %parallel_loop3A_136 = arith.index_cast %parallel_loop3A_135 : i32 to index
        %parallel_loop3A_137 = tpu.vector_load %arg12[%parallel_loop3A_136] {strides = array<i32>} : memref<2048xf32, #tpu.memory_space<vmem>>, vector<16xf32>,
        %parallel_loop3A_138 = arith.constant 128 : i32
        %parallel_loop3A_139 = arith.addi %parallel_loop3A_105, %parallel_loop3A_138 : i32
        %parallel_loop3A_140 = arith.index_cast %parallel_loop3A_139 : i32 to index
        %parallel_loop3A_141 = tpu.vector_load %arg12[%parallel_loop3A_140] {strides = array<i32>} : memref<2048xf32, #tpu.memory_space<vmem>>, vector<16xf32>,
        %parallel_loop3A_142 = arith.constant 144 : i32
        %parallel_loop3A_143 = arith.addi %parallel_loop3A_105, %parallel_loop3A_142 : i32
        %parallel_loop3A_144 = arith.index_cast %parallel_loop3A_143 : i32 to index
        %parallel_loop3A_145 = tpu.vector_load %arg12[%parallel_loop3A_144] {strides = array<i32>} : memref<2048xf32, #tpu.memory_space<vmem>>, vector<16xf32>,
        %parallel_loop3A_146 = arith.constant 160 : i32
        %parallel_loop3A_147 = arith.addi %parallel_loop3A_105, %parallel_loop3A_146 : i32
        %parallel_loop3A_148 = arith.index_cast %parallel_loop3A_147 : i32 to index
        %parallel_loop3A_149 = tpu.vector_load %arg12[%parallel_loop3A_148] {strides = array<i32>} : memref<2048xf32, #tpu.memory_space<vmem>>, vector<16xf32>,
        %parallel_loop3A_150 = arith.constant 176 : i32
        %parallel_loop3A_151 = arith.addi %parallel_loop3A_105, %parallel_loop3A_150 : i32
        %parallel_loop3A_152 = arith.index_cast %parallel_loop3A_151 : i32 to index
        %parallel_loop3A_153 = tpu.vector_load %arg12[%parallel_loop3A_152] {strides = array<i32>} : memref<2048xf32, #tpu.memory_space<vmem>>, vector<16xf32>,
        %parallel_loop3A_154 = arith.constant 192 : i32
        %parallel_loop3A_155 = arith.addi %parallel_loop3A_105, %parallel_loop3A_154 : i32
        %parallel_loop3A_156 = arith.index_cast %parallel_loop3A_155 : i32 to index
        %parallel_loop3A_157 = tpu.vector_load %arg12[%parallel_loop3A_156] {strides = array<i32>} : memref<2048xf32, #tpu.memory_space<vmem>>, vector<16xf32>,
        %parallel_loop3A_158 = arith.constant 208 : i32
        %parallel_loop3A_159 = arith.addi %parallel_loop3A_105, %parallel_loop3A_158 : i32
        %parallel_loop3A_160 = arith.index_cast %parallel_loop3A_159 : i32 to index
        %parallel_loop3A_161 = tpu.vector_load %arg12[%parallel_loop3A_160] {strides = array<i32>} : memref<2048xf32, #tpu.memory_space<vmem>>, vector<16xf32>,
        %parallel_loop3A_162 = arith.constant 224 : i32
        %parallel_loop3A_163 = arith.addi %parallel_loop3A_105, %parallel_loop3A_162 : i32
        %parallel_loop3A_164 = arith.index_cast %parallel_loop3A_163 : i32 to index
        %parallel_loop3A_165 = tpu.vector_load %arg12[%parallel_loop3A_164] {strides = array<i32>} : memref<2048xf32, #tpu.memory_space<vmem>>, vector<16xf32>,
        %parallel_loop3A_166 = arith.constant 240 : i32
        %parallel_loop3A_167 = arith.addi %parallel_loop3A_105, %parallel_loop3A_166 : i32
        %parallel_loop3A_168 = arith.index_cast %parallel_loop3A_167 : i32 to index
        %parallel_loop3A_169 = tpu.vector_load %arg12[%parallel_loop3A_168] {strides = array<i32>} : memref<2048xf32, #tpu.memory_space<vmem>>, vector<16xf32>,
        %parallel_loop3A_170 = arith.addf %parallel_loop3A_109, %parallel_loop3A_113 : vector<16xf32>
        %parallel_loop3A_171 = arith.addf %parallel_loop3A_117, %parallel_loop3A_121 : vector<16xf32>
        %parallel_loop3A_172 = arith.addf %parallel_loop3A_125, %parallel_loop3A_129 : vector<16xf32>
        %parallel_loop3A_173 = arith.addf %parallel_loop3A_133, %parallel_loop3A_137 : vector<16xf32>
        %parallel_loop3A_174 = arith.addf %parallel_loop3A_141, %parallel_loop3A_145 : vector<16xf32>
        %parallel_loop3A_175 = arith.addf %parallel_loop3A_149, %parallel_loop3A_153 : vector<16xf32>
        %parallel_loop3A_176 = arith.addf %parallel_loop3A_157, %parallel_loop3A_161 : vector<16xf32>
        %parallel_loop3A_177 = arith.addf %parallel_loop3A_165, %parallel_loop3A_169 : vector<16xf32>
        %parallel_loop3A_178 = arith.addf %parallel_loop3A_170, %parallel_loop3A_171 : vector<16xf32>
        %parallel_loop3A_179 = arith.addf %parallel_loop3A_172, %parallel_loop3A_173 : vector<16xf32>
        %parallel_loop3A_180 = arith.addf %parallel_loop3A_174, %parallel_loop3A_175 : vector<16xf32>
        %parallel_loop3A_181 = arith.addf %parallel_loop3A_176, %parallel_loop3A_177 : vector<16xf32>
        %parallel_loop3A_182 = arith.addf %parallel_loop3A_178, %parallel_loop3A_179 : vector<16xf32>
        %parallel_loop3A_183 = arith.addf %parallel_loop3A_180, %parallel_loop3A_181 : vector<16xf32>
        %parallel_loop3A_184 = arith.addf %parallel_loop3A_182, %parallel_loop3A_183 : vector<16xf32>
        %parallel_loop3A_185 = arith.constant 16 : i32
        %parallel_loop3A_186 = arith.muli %parallel_loop3A_103, %parallel_loop3A_185 : i32
        %parallel_loop3A_187 = arith.index_cast %parallel_loop3A_186 : i32 to index
        %parallel_loop3A_188 = tpu.vector_load %arg11[%parallel_loop3A_187] {strides = array<i32>} : memref<128xf32, #tpu.memory_space<vmem>>, vector<16xf32>,
        tpu.vector_store %arg11[%parallel_loop3A_187], %parallel_loop3A_184 {strides = array<i32>} : memref<128xf32, #tpu.memory_space<vmem>>, vector<16xf32>,
      } {sc.loop_unroll_factor = 1 : i64, sc.parallel_access}
      "tpu.region"() ({
        %run_scoped3A = tpu.sem_alloc : memref<!tpu.dma_semaphore, #tpu.memory_space<semaphore_mem>>
        %dma_start3A_103 = tpu.memref_slice %arg6[%add3A_96] : memref<16384xf32, #tpu.memory_space<hbm>> -> memref<128xf32, #tpu.memory_space<hbm>>
        %dma_start3A_104 = tpu.memref_slice %arg6[%add3A_96] : memref<16384xf32, #tpu.memory_space<hbm>> -> memref<128xf32, #tpu.memory_space<hbm>>
        tpu.enqueue_dma source(%arg11 : memref<128xf32, #tpu.memory_space<vmem>>) target(%dma_start3A_104 : memref<128xf32, #tpu.memory_space<hbm>>) target_semaphore(%run_scoped3A : memref<!tpu.dma_semaphore, #tpu.memory_space<semaphore_mem>>)
        %dma_wait3A_105 = tpu.memref_slice %arg6[%add3A_96] : memref<16384xf32, #tpu.memory_space<hbm>> -> memref<128xf32, #tpu.memory_space<hbm>>
        %dma_wait3A_106 = tpu.memref_slice %arg6[%add3A_96] : memref<16384xf32, #tpu.memory_space<hbm>> -> memref<128xf32, #tpu.memory_space<hbm>>
        tpu.wait_dma2 semaphore(%run_scoped3A : memref<!tpu.dma_semaphore, #tpu.memory_space<semaphore_mem>>) src(%arg11 : memref<128xf32, #tpu.memory_space<vmem>>) dst(%dma_wait3A_106 : memref<128xf32, #tpu.memory_space<hbm>>)
        tpu.yield
      }) : () -> ()
      %scan3A_102 = arith.constant 0 : i32
      scf.yield %scan3A_102 : i32
    }
    %scan3A_47 = arith.constant 4 : i32
    return
  }
}

</mosaic_0001>

<sc_bundles>
// kernel: _scores_sc.3.cloned.1.call-start
scs
__scs_entry_jumppad:
0x0: {  	(pc) =	sbr.rel $0x88, $3  }
0x1: {  	(tag) =	ssettag $0x0;
	lr =	simm.s32 $0x1  }
0x2: {  	[smem:$0x3F9D] =	sst lr;
	_ =	strace $0xD0000000  }
0x3: {  	_ = 	snop  }
0x4: {  	_ = 	snop  }
0x5: {  	_ = 	snop  }
0x6: {  	_ = 	snop  }
0x7: {  	_ = 	snop  }
__scs_overlays_trampoline_lowered:
0x8: {  	[smem:$0x3FAC] =	sst s0  }
0x9: {  	[smem:$0x3FAD] =	sst s1  }
0xa: {  	[smem:$0x3FAE] =	sst s2  }
0xb: {  	[smem:$0x3FAF] =	sst s3  }
0xc: {  	[smem:$0x3FB0] =	sst s4  }
0xd: {  	[smem:$0x3FB1] =	sst s5  }
0xe: {  	[smem:$0x3FB2] =	sst s6  }
0xf: {  	[smem:$0x3FB3] =	sst s7  }
0x10: {  	[smem:$0x3FB4] =	sst s8  }
0x11: {  	[smem:$0x3FB5] =	sst s9;
	s0 =	simm.s32 @!p0 $0x0  }
0x12: {  	s1 =	sld [smem:$0x3F9B];
	s0 =	simm.s32 @p0 $0x1  }
0x13: {  	[smem:$0x3FB6] =	sst s0;
	s0 =	simm.s32 @!p1 $0x0  }
0x14: {  	s2 =	sld [smem:$0x3F9A];
	s0 =	simm.s32 @p1 $0x1  }
0x15: {  	[smem:$0x3FB7] =	sst s0;
	s0 =	simm.s32 @!p2 $0x0  }
0x16: {  	s3 =	sld [smem:$0x3FDB];
	s0 =	simm.s32 @p2 $0x1  }
0x17: {  	s4 =	simm.s32 $0x1BF5;
	[smem:$0x3FB9] =	sst s0  }
0x18: {  	s0 =	sld [smem:$0x3F9C];
	_ =	swait.ge [sflag:s4], $0x0  }
0x19: {  	s7 =	sld [smem:$0x3F9D]  }
0x1a: {  	s8 =	sadd.s32 $0xFFFFE003, lr  }
0x1b: {  	s9 =	sadd.s32 $0xFFFFFEF7, lr;
	s5 =	simm.s32 $0xFFFFFFFF;
	p2 =	slt.u32 s8, $0xFFFFF086  }
0x1c: {  	p1 =	slt.u32 s9, $0xF7A;
	s5 =	simm.s32 @!p2 $0x0  }
0x1d: {  	s5 =	simm.s32 @p1 $0x1;
	p0 =	seq.s32 s7, s2  }
0x1e: {  	s7 =	smul.u32 @!p0 $0xF7A, s2;
	p2 =	seq.s32 @!p0 s5, $0x0  }
0x1f: {  	s9 =	smul.u32 $0xF7A, s1;
	s8 =	simm.s32 @!p0 $0x1BF5;
	p2 =	por !p2, p0  }
0x20: {  	[sflag:s8] =	ssyncset.s32 @!p0 $0xFFFFF086;
	s6 =	sadd.s32 @!p0 s3, s7;
	s7 =	simm.s32 @!p0 $0x108  }
0x21: {  	s3 =	sadd.s32 s3, s9;
	s6 =	sadd.s32 @!p0 $0x88, s6;
	s7 =	simm.s32 @p2 $0x1082  }
0x22: {  	[simem:s7], [sflag:s8] =	dma.local @!p0 [hbm:s6], $0xF7A  }
0x23: {  	s9 =	sor.u32 $0xD0000000, s2;
	s6 =	simm.s32 $0x108;
	_ =	swait.ge @!p0 [sflag:s8], $0x0  }
0x24: {  	s3 =	sadd.s32 $0x88, s3;
	s6 =	simm.s32 @!p1 $0x1082;
	[sflag:s4] =	ssyncset.s32 $0xFFFFF086  }
0x25: {  	[simem:s6], [sflag:s4] =	dma.local [hbm:s3], $0xF7A  }
0x26: {  	[smem:$0x3F9D] =	sst s1;
	(tag) =	ssettag s2;
	_ =	strace s9  }
0x27: {  	s1 =	sld [smem:$0x3FAD]  }
0x28: {  	s2 =	sld [smem:$0x3FAE]  }
0x29: {  	s4 =	sld [smem:$0x3FB0]  }
0x2a: {  	p0 =	seq.s32 s5, $0x0;
	s5 =	sld [smem:$0x3FB1]  }
0x2b: {  	s6 =	sld [smem:$0x3FB2]  }
0x2c: {  	s7 =	sld [smem:$0x3FB3]  }
0x2d: {  	s3 =	simm.s32 $0x108;
	s8 =	sld [smem:$0x3FB4]  }
0x2e: {  	s3 =	simm.s32 @!p0 $0x1082;
	s9 =	sld [smem:$0x3FB5]  }
0x2f: {  	lr =	sadd.s32 s0, s3;
	s0 =	sld [smem:$0x3FAC]  }
0x30: {  	s3 =	sld [smem:$0x3FAF]  }
0x31: {  	[smem:$0x3FB8] =	sst s10  }
0x32: {  	s10 =	sld [smem:$0x3FB6];
	_ =	sdelay $0x3  }
0x33: {  	p0 =	seq.s32 s10, $0x1;
	s10 =	sld [smem:$0x3FB8];
	_ =	sdelay $0x3  }
0x34: {  	[smem:$0x3FB8] =	sst s10  }
0x35: {  	s10 =	sld [smem:$0x3FB7];
	_ =	sdelay $0x3  }
0x36: {  	p1 =	seq.s32 s10, $0x1;
	s10 =	sld [smem:$0x3FB8];
	_ =	sdelay $0x3  }
0x37: {  	[smem:$0x3FB8] =	sst s10  }
0x38: {  	s10 =	sld [smem:$0x3FB9]  }
0x39: {  	_ = 	snop;
	(pc) =	sbr.ind lr, $3  }
0x3a: {  	_ = 	snop  }
0x3b: {  	_ = 	snop  }
0x3c: {  	p2 =	seq.s32 s10, $0x1;
	s10 =	sld [smem:$0x3FB8]  }
0x3d: {  	_ =	shalt  }
0x3e: {  	_ =	shalt  }
0x3f: {  	_ =	shalt  }
0x40: {  	_ =	shalt  }
0x41: {  	_ =	shalt  }
0x42: {  	_ =	shalt  }
0x43: {  	_ =	shalt  }
0x44: {  	_ =	shalt  }
0x45: {  	_ =	shalt  }
0x46: {  	_ =	shalt  }
0x47: {  	_ =	shalt  }
0x48: {  	_ =	shalt  }
0x49: {  	_ =	shalt  }
0x4a: {  	_ =	shalt  }
0x4b: {  	_ =	shalt  }
0x4c: {  	_ =	shalt  }
0x4d: {  	_ =	shalt  }
0x4e: {  	_ =	shalt  }
0x4f: {  	_ =	shalt  }
0x50: {  	_ =	shalt  }
0x51: {  	_ =	shalt  }
0x52: {  	_ =	shalt  }
0x53: {  	_ =	shalt  }
0x54: {  	_ =	shalt  }
0x55: {  	_ =	shalt  }
0x56: {  	_ =	shalt  }
0x57: {  	_ =	shalt  }
0x58: {  	_ =	shalt  }
0x59: {  	_ =	shalt  }
0x5a: {  	_ =	shalt  }
0x5b: {  	_ =	shalt  }
0x5c: {  	_ =	shalt  }
0x5d: {  	_ =	shalt  }
0x5e: {  	_ =	shalt  }
0x5f: {  	_ =	shalt  }
0x60: {  	_ =	shalt  }
0x61: {  	_ =	shalt  }
0x62: {  	_ =	shalt  }
0x63: {  	_ =	shalt  }
0x64: {  	_ =	shalt  }
0x65: {  	_ =	shalt  }
0x66: {  	_ =	shalt  }
0x67: {  	_ =	shalt  }
0x68: {  	_ =	shalt  }
0x69: {  	_ =	shalt  }
0x6a: {  	_ =	shalt  }
0x6b: {  	_ =	shalt  }
0x6c: {  	_ =	shalt  }
0x6d: {  	_ =	shalt  }
0x6e: {  	_ =	shalt  }
0x6f: {  	_ =	shalt  }
0x70: {  	_ =	shalt  }
0x71: {  	_ =	shalt  }
0x72: {  	_ =	shalt  }
0x73: {  	_ =	shalt  }
0x74: {  	_ =	shalt  }
0x75: {  	_ =	shalt  }
0x76: {  	_ =	shalt  }
0x77: {  	_ =	shalt  }
0x78: {  	_ =	shalt  }
0x79: {  	_ =	shalt  }
0x7a: {  	_ =	shalt  }
0x7b: {  	_ =	shalt  }
0x7c: {  	_ =	shalt  }
0x7d: {  	_ =	shalt  }
0x7e: {  	_ =	shalt  }
0x7f: {  	_ =	shalt  }
0x80: {  	_ =	shalt  }
0x81: {  	_ =	shalt  }
0x82: {  	_ =	shalt  }
0x83: {  	_ =	shalt  }
0x84: {  	_ =	shalt  }
0x85: {  	_ =	shalt  }
0x86: {  	_ =	shalt  }
0x87: {  	_ =	shalt  }
.Lfunc_end0:
.L_simem_size_0:
called_computation_lowered:
.L_overlay_start_0:
0x88: {  	s2 =	sld [smem:$0x3FD9]  }
0x89: {  	s3 =	sld [smem:$0x3FFE];
	_ =	sdelay $0x1  }
0x8a: {  	s1 =	srdreg.scid  }
0x8b: {  	s0 =	sand.u32 $0x1, s1  }
0x8c: {  	s18 =	sshll.u32 s0, $0xA;
	s2 =	sadd.s32 s3, s2  }
0x8d: {  	s2 =	sadd.s32 s2, s18  }
0x8e: {  	[smem:$0x3FC4] =	sst s2  }
0x8f: {  	_ = 	snop  }
0x90: {  	s2 =	sld [smem:$0x3FC9]  }
0x91: {  	s19 =	sld [smem:$0x3FC8]  }
0x92: {  	s4 =	sld [smem:$0x3FC7]  }
0x93: {  	s5 =	sld [smem:$0x3FC6]  }
0x94: {  	s6 =	sld [smem:$0x3FD0];
	(tm) =	ssettm $0x1  }
0x95: {  	s7 =	sld [smem:$0x3FFB];
	_ =	sdelay $0x3  }
0x96: {  	_ =	strace s7  }
0x97: {  	s7 =	sld [smem:$0x3FFC];
	_ =	sdelay $0x3  }
0x98: {  	_ =	strace s7  }
0x99: {  	s7 =	sld [smem:$0x3FFD];
	_ =	sdelay $0x3  }
0x9a: {  	_ =	strace s7  }
0x9b: {  	_ =	strace $0x8FFFFFFF  }
0x9c: {  	s20 =	sld [smem:$0x3FDB];
	_ =	sdelay $0x1  }
0x9d: {  	s8 =	simm.s32 $_scs_section_size  }
0x9e: {  	s9 =	simm.s32 $_size__tile_overlayer_lowered;
	s10 =	simm.s32 $_tile_overlayer_lowered  }
0x9f: {  	s23 =	simm.s32 $0x1BFF;
	s22 =	sshll.u32 s10, $0x1;
	s7 =	sadd.s32 s8, s20  }
0xa0: {  	s11 =	simm.s32 $0x0;
	s21 =	sshll.u32 s9, $0x1;
	s9 =	sadd.s32 s22, s7  }
0xa1: {  	[timem:s11], [sflag:s23] =	dma.local [hbm:s9], s21  }
0xa2: {  	_ =	swait.ge [sflag:s23], s21  }
0xa3: {  	s8 =	ssub.s32 $0x0, s21;
	[sflag:s23] =	ssyncset.done $0x0  }
0xa4: {  	[sflag:s23] =	ssyncadd.s32 s8;
	_ =	sdelay $0x1  }
0xa5: {  	s24 =	simm.s32 $0x1B8B  }
0xa6: {  	_ =	swait.ge [sflag:s24], $0x1  }
0xa7: {  	[sflag:s24] =	ssyncset.done $0x0  }
0xa8: {  	s25 =	simm.s32 $0x1B8E;
	[sflag:s24] =	ssyncadd.s32 $0xFFFFFFFF  }
0xa9: {  	s26 =	simm.s32 $execute0_lowered;
	[smem:$0x3FD2] =	sst s25  }
0xaa: {  	s8 =	sshll.u32 s26, $0x1;
	_ =	strace $0x80000046;
	[dreg:$0x1] =	wrdreg $0xFFFFFFFF  }
0xab: {  	s28 =	simm.s32 $_size_execute0_lowered;
	s7 =	sadd.s32 s7, s8;
	[dreg:$0x0] =	wrdreg $0x0  }
0xac: {  	s8 =	sshll.u32 s28, $0x1;
	[dreg:$0x2] =	wrdreg s7  }
0xad: {  	[dreg:$0x3] =	wrdreg s8  }
0xae: {  	[dreg:$0x4] =	wrdreg $0xC0  }
0xaf: {  	_ =	task [dreg:s11], $0x5FFFF  }
0xb0: {  	[dreg:$0x1] =	wrdreg $0xFFFFFFFF  }
0xb1: {  	[dreg:$0x0] =	wrdreg $0x60  }
0xb2: {  	[dreg:$0x2] =	wrdreg s2  }
0xb3: {  	[dreg:$0x3] =	wrdreg s19  }
0xb4: {  	[dreg:$0x4] =	wrdreg s4  }
0xb5: {  	[dreg:$0x5] =	wrdreg s5  }
0xb6: {  	[dreg:$0x6] =	wrdreg s6  }
0xb7: {  	[dreg:$0x7] =	wrdreg $0x18A800  }
0xb8: {  	[dreg:$0x8] =	wrdreg $0x9  }
0xb9: {  	_ =	task.clear_ibuf [dreg:s11], $0x9FFFF;
	_ =	strace $0x90000046  }
0xba: {  	s29 =	simm.s32 $0x9;
	_ =	strace $0x80000048  }
0xbb: {  	_ =	swait.ge [sflag:s29], $0x1  }
0xbc: {  	[sflag:s29] =	ssyncadd.s32 $0xFFFFFFFF  }
0xbd: {  	_ =	strace $0x90000048  }
0xbe: {  	_ =	sfence  }
0xbf: {  	s30 =	sld [smem:$0x0];
	_ =	sdelay $0x2  }
0xc0: {  	s31 =	sshll.u32 s1, $0xD;
	s1 =	sshrl.u32 s1, $0x2  }
0xc1: {  	s3 =	sand.u32 $0x4000, s31;
	s1 =	sadd.s32 s1, s30  }
0xc2: {  	s0 =	sor.u32 s3, s0;
	s1 =	sshll.u32 s1, $0x11  }
0xc3: {  	s0 =	sor.u32 s1, s0  }
0xc4: {  	s0 =	sadd.s32 $0x8F2B, s0  }
0xc5: {  	[sflag:s0] =	ssyncadd.remote.s32 $0x1  }
0xc6: {  	_ =	sfence.sel $0xFFFF  }
0xc7: {  	[dreg:$0x0] =	wrdreg $0xFFFFFFFF;
	(pc) =	sbr.abs _section_cstart, $3  }
0xc8: {  	[dreg:$0x1] =	wrdreg $0xFFFFFFFF  }
0xc9: {  	_ =	task.clear_ibuf [dreg:s11], $0x2FFFF;
	_ =	strace $0x9FFFFFFF  }
0xca: {  	(tm) =	ssettm $0x7FFFFFFF  }
0xcb: {  	_ =	shalt  }
tec
execute0_lowered:
.L_overlay_start_1:
0x0: {  	(tag) =	ssettag $0x1  }
0x1: {  	s0 =	rddreg [dreg:$0x0]  }
0x2: {  	s2 =	rddreg [dreg:$0x1]  }
0x3: {  	s1 =	rddreg [dreg:$0x2]  }
0x4: {  	s4 =	rddreg [dreg:$0x4]  }
0x5: {  	s5 =	rddreg [dreg:$0x5]  }
0x6: {  	s3 =	srdreg.scid;
	s6 =	simm.s32 $0x0;
	s13 =	stileid.u32  }
0x7: {  	s14 =	simm.s32 $0x4;
	s19 =	simm.s32 $0x1;
	s20 =	simm.s32 $0x3  }
0x8: {  	s21 =	simm.s32 $0x2;
	s22 =	simm.s32 $0x18280;
	s23 =	simm.s32 $0x18200  }
0x9: {  	s24 =	simm.s32 $0x0;
	s3 =	sand.u32 $0x1, s3;
	[smem:$0x7FF] =	sst s6  }
0xa: {  	s7 =	sshll.u32 s13, $0xA;
	p0 =	sne.s32 s13, $0x0;
	s8 =	sshll.u32 s3, $0x9  }
0xb: {  	_ =	strace $0x80000047;
	s3 =	ssub.s32 $0x2, s3;
	s7 =	sor.u32 s8, s7  }
0xc: {  	s13 =	sshrl.u32 @!p0 s5, $0x3;
	s9 =	sshrl.u32 s3, $0x1;
	s10 =	sshrl.u32 s7, $0x3  }
0xd: {  	v0 =	vlaneseq.u32;
	s8 =	sshll.u32 s7, $0x4;
	s3 =	ssub.s32 s3, s9;
	s9 =	sadd.s32 s1, s10  }
0xe: {  	v0 =	vmul.u32 $0x10, v0;
	s10 =	sadd.s32 s0, s8;
	s11 =	sadd.s32 s2, s8;
	s12 =	smax.u32 s3, $0x1  }
.LBB2_1:
0xf: {  	s1 =	simm.s32 @!p0 $0x1C04;
	s3 =	rddreg [dreg:$0x3]  }
0x10: {  	[spmem:s13], [sflag:s1] =	dma.local @!p0 [hbm:s3], $0x3E80  }
0x11: {  	s1 =	simm.s32 @!p0 $0x4  }
0x12: {  	_ =	swait.ge @!p0 [sflag:s1], $0x3E80  }
0x13: {  	[sflag:s1] =	ssyncset.done @!p0 $0x0  }
0x14: {  	[sflag:s1] =	ssyncadd.s32 @!p0 $0xFFFFC180  }
0x15: {  	[tilespmem:s6], [sflag:$0x4] =	stream.linear.gather [hbm4b:s9+s6], $0x200, $0x38;
	[tilespmem:$0x1A9C0] =	vst v63  }
0x16: {  	_ =	swait.ge [sflag:s14], $0x200  }
0x17: {  	[sflag:s14] =	ssyncset.done $0x0  }
0x18: {  	[sflag:s14] =	ssyncadd.s32 $0xFFFFFE00  }
0x19: {  	s28 =	simm.s32 $0x80;
	s29 =	simm.s32 $0x10200;
	[bflag:$0x0] =	sbarrier.arrive $0xFFFF  }
0x1a: {  	[tilespmem:s29], [sflag:$0x3] =	stream.indirect.gather [spmem:s5], $0x80, s6, s28, $0xb8;
	[tilespmem:$0x1A9C0] =	vst v63  }
0x1b: {  	s30 =	simm.s32 $0x200  }
0x1c: {  	[tilespmem:s30], [sflag:$0x1] =	stream.linear.gather [hbm4b:s10+s6], $0x4000, $0x38;
	[tilespmem:$0x1A9C0] =	vst v63  }
0x1d: {  	s31 =	simm.s32 $0x8200;
	p1 =	por $0x0, $0x0;
	s26 =	simm.s32 $0x0  }
0x1e: {  	[tilespmem:s31], [sflag:$0x2] =	stream.linear.gather [hbm4b:s11+s6], $0x4000, $0x38;
	[tilespmem:$0x1A9C0] =	vst v63  }
.LBB2_2:
0x1f: {  	s25 =	sadd.s32 $0x1, s26;
	p2 =	seq.s32 s26, $0x3  }
0x20: {  	s1 =	sshll.u32 @!p2 s25, $0xE  }
0x21: {  	s3 =	sshll.u32 @!p2 s25, $0x7;
	s1 =	sand.u32 @!p2 $0x4000, s1  }
0x22: {  	s28 =	simm.s32 @!p2 $0x80;
	s3 =	sand.u32 @!p2 $0x3FFFFF80, s3;
	s15 =	sor.u32 @!p2 $0x10200, s1  }
0x23: {  	[tilespmem:s15], [sflag:$0x3] =	stream.indirect.gather @!p2 [spmem:s5], $0x80, s3, s28, $0xb8;
	[tilespmem:$0x1A9C0] =	vst v63  }
0x24: {  	s3 =	sshll.u32 @!p2 s25, $0xB  }
0x25: {  	s3 =	sadd.s32 @!p2 s8, s3  }
0x26: {  	s29 =	simm.s32 @!p2 $0x0;
	s15 =	sor.u32 @!p2 $0x200, s1;
	s28 =	sadd.s32 @!p2 s0, s3  }
0x27: {  	[tilespmem:s15], [sflag:$0x1] =	stream.linear.gather @!p2 [hbm4b:s28+s29], $0x4000, $0x38;
	[tilespmem:$0x1A9C0] =	vst v63  }
0x28: {  	s1 =	sor.u32 @!p2 $0x8200, s1;
	s3 =	sadd.s32 @!p2 s2, s3  }
0x29: {  	[tilespmem:s1], [sflag:$0x2] =	stream.linear.gather @!p2 [hbm4b:s3+s29], $0x4000, $0x38;
	[tilespmem:$0x1A9C0] =	vst v63  }
0x2a: {  	_ =	swait.ge [sflag:s20], $0x4000  }
0x2b: {  	[sflag:s20] =	ssyncset.done $0x0  }
0x2c: {  	[sflag:s20] =	ssyncadd.s32 $0xFFFFC000  }
0x2d: {  	_ =	swait.ge [sflag:s19], $0x4000  }
0x2e: {  	[sflag:s19] =	ssyncset.done $0x0  }
0x2f: {  	s1 =	simm.s32 $0x1;
	[sflag:s19] =	ssyncadd.s32 $0xFFFFC000  }
0x30: {  	s1 =	simm.s32 @!p1 $0x0;
	_ =	swait.ge [sflag:s21], $0x4000  }
0x31: {  	s1 =	sshll.u32 s1, $0xE;
	[sflag:s21] =	ssyncset.done $0x0  }
0x32: {  	s16 =	sor.u32 $0x8280, s1;
	[sflag:s21] =	ssyncadd.s32 $0xFFFFC000  }
0x33: {  	v1 =	vld [tilespmem:s16+$0x60]  }
0x34: {  	v2 =	vld [tilespmem:s16+$0x50]  }
0x35: {  	v3 =	vld [tilespmem:s16+$0x40]  }
0x36: {  	v4 =	vld [tilespmem:s16+$0x30]  }
0x37: {  	v5 =	vld [tilespmem:s16+$0x20]  }
0x38: {  	s29 =	sor.u32 $0x280, s1;
	v6 =	vld [tilespmem:s16+$0x0]  }
0x39: {  	v7 =	vld [tilespmem:s29+$0x20]  }
0x3a: {  	s30 =	sor.u32 $0x10280, s1;
	v8 =	vld [tilespmem:s29+$0x0]  }
0x3b: {  	v9 =	vld [tilespmem:s30+$0x0]  }
0x3c: {  	v10 =	vld [tilespmem:s29+$0x10]  }
0x3d: {  	v11 =	vld [tilespmem:s30+$0x10]  }
0x3e: {  	v12 =	vld [tilespmem:s30+$0x20]  }
0x3f: {  	v13 =	vld [tilespmem:s16+$0x10]  }
0x40: {  	v14 =	vld [tilespmem:s29+$0x30]  }
0x41: {  	v15 =	vld [tilespmem:s30+$0x30]  }
0x42: {  	v16 =	vld [tilespmem:s29+$0x40]  }
0x43: {  	v17 =	vld [tilespmem:s30+$0x40]  }
0x44: {  	v18 =	vld [tilespmem:s29+$0x50]  }
0x45: {  	v19 =	vld [tilespmem:s30+$0x50]  }
0x46: {  	v20 =	vld [tilespmem:s29+$0x60]  }
0x47: {  	v21 =	vld [tilespmem:s30+$0x60]  }
0x48: {  	v22 =	vld [tilespmem:s29+$0x70]  }
0x49: {  	v23 =	vld [tilespmem:s30+$0x70]  }
0x4a: {  	v24 =	vld [tilespmem:s29+$0xFFFFFF80]  }
0x4b: {  	v25 =	vld [tilespmem:s16+$0x70]  }
0x4c: {  	v26 =	vld [tilespmem:s30+$0xFFFFFF80]  }
0x4d: {  	v27 =	vld [tilespmem:s29+$0xFFFFFF90]  }
0x4e: {  	v28 =	vld [tilespmem:s30+$0xFFFFFF90]  }
0x4f: {  	v56 =	vld [tilespmem:s30+$0xFFFFFFA0];
	v8 =	vmul.f32 v9, v8;
	v9 =	vmul.f32 v11, v10  }
0x50: {  	v57 =	vld [tilespmem:s29+$0xFFFFFFB0];
	v7 =	vmul.f32 v12, v7  }
0x51: {  	v59 =	vld [tilespmem:s16+$0xFFFFFFB0];
	v6 =	vmul.f32 v6, v8;
	v8 =	vmul.f32 v13, v9  }
0x52: {  	v61 =	vld [tilespmem:s30+$0xFFFFFFC0]  }
0x53: {  	v10 =	vld [tilespmem:s16+$0xFFFFFF80];
	v5 =	vmul.f32 v5, v7;
	v7 =	vmul.f32 v15, v14;
	v6 =	vadd.f32 v8, v6  }
0x54: {  	v11 =	vld [tilespmem:s16+$0xFFFFFF90]  }
0x55: {  	v9 =	vld [tilespmem:s29+$0xFFFFFFA0];
	v4 =	vmul.f32 v4, v7;
	v5 =	vadd.f32 v5, v6;
	v6 =	vmul.f32 v17, v16  }
0x56: {  	v58 =	vmul.f32 v19, v18;
	v7 =	vld [tilespmem:s30+$0xFFFFFFB0]  }
0x57: {  	v60 =	vmul.f32 v28, v27;
	v8 =	vld [tilespmem:s16+$0xFFFFFFA0];
	v4 =	vadd.f32 v4, v5;
	v3 =	vmul.f32 v3, v6  }
0x58: {  	v2 =	vmul.f32 v2, v58;
	v5 =	vmul.f32 v26, v24;
	v6 =	vld [tilespmem:s29+$0xFFFFFFC0]  }
0x59: {  	v62 =	vld [tilespmem:s29+$0xFFFFFFD0];
	v11 =	vmul.f32 v11, v60;
	v3 =	vadd.f32 v3, v4;
	v4 =	vmul.f32 v21, v20  }
0x5a: {  	s17 =	simm.s32 $0x1;
	s28 =	simm.s32 $0x0;
	v9 =	vmul.f32 v56, v9;
	v5 =	vmul.f32 v10, v5;
	v10 =	vld [tilespmem:s16+$0xFFFFFFC0]  }
0x5b: {  	s18 =	sand.u32 $0x700, s28;
	s1 =	sand.u32 $0xF, s17;
	v63 =	vld [tilespmem:s30+$0xFFFFFFD0];
	v7 =	vmul.f32 v7, v57;
	v2 =	vadd.f32 v2, v3;
	v1 =	vmul.f32 v1, v4  }
0x5c: {  	s1 =	sor.u32 s18, s1;
	v3 =	vmul.f32 v23, v22;
	v4 =	vadd.f32 v11, v5;
	v5 =	vmul.f32 v8, v9;
	v9 =	vld [tilespmem:s16+$0xFFFFFFD0]  }
0x5d: {  	v8 =	vor.u32 s1, v0;
	v6 =	vmul.f32 v61, v6;
	v1 =	vadd.f32 v1, v2;
	v2 =	vld [tilespmem:s29+$0xFFFFFFE0]  }
0x5e: {  	v7 =	vmul.f32 v59, v7;
	v3 =	vmul.f32 v25, v3;
	v5 =	vadd.f32 v5, v4;
	v4 =	vld [tilespmem:s30+$0xFFFFFFE0]  }
0x5f: {  	s1 =	simm.s32 $0x0;
	v10 =	vmul.f32 v10, v6;
	v6 =	vld [tilespmem:s30+$0xFFFFFFF0]  }
0x60: {  	v12 =	vmul.f32 v63, v62;
	s31 =	sand.u32 $0xE, s1;
	v11 =	vadd.f32 v3, v1;
	v3 =	vld [tilespmem:s16+$0xFFFFFFE0];
	v7 =	vadd.f32 v7, v5  }
0x61: {  	s15 =	sor.u32 s31, s18;
	v5 =	vld [tilespmem:s29+$0xFFFFFFF0]  }
0x62: {  	s3 =	sadd.s32 $0x100, s16;
	s31 =	simm.s32 $0x18300;
	v1 =	vor.u32 s15, v0;
	s15 =	simm.s32 $0x0;
	v9 =	vmul.f32 v9, v12;
	[tilespmem:v8+s22+$0x0] =	vst.idx.msk $0xffff, v11;
	v8 =	vadd.f32 v10, v7;
	v7 =	vld [tilespmem:s16+$0xFFFFFFF0]  }
.LBB2_3:
0x63: {  	v10 =	vld [tilespmem:s3+$0x60];
	v2 =	vmul.f32 v4, v2  }
0x64: {  	v4 =	vld [tilespmem:s3+$0x50];
	v8 =	vadd.f32 v9, v8  }
0x65: {  	v9 =	vld [tilespmem:s3+$0x40];
	v2 =	vmul.f32 v3, v2  }
0x66: {  	v3 =	vld [tilespmem:s3+$0x30];
	v5 =	vmul.f32 v6, v5  }
0x67: {  	v6 =	vld [tilespmem:s3+$0x20];
	v2 =	vadd.f32 v2, v8  }
0x68: {  	s29 =	sadd.s32 $0x100, s29;
	v8 =	vld [tilespmem:s3+$0x0];
	v5 =	vmul.f32 v7, v5  }
0x69: {  	v7 =	vld [tilespmem:s29+$0x20]  }
0x6a: {  	s30 =	sadd.s32 $0x100, s30;
	v11 =	vld [tilespmem:s29+$0x0];
	v2 =	vadd.f32 v5, v2  }
0x6b: {  	v5 =	vld [tilespmem:s30+$0x0]  }
0x6c: {  	v12 =	vld [tilespmem:s29+$0x10];
	[tilespmem:v1+s22+$0x0] =	vst.idx.msk $0xffff, v2  }
0x6d: {  	v1 =	vld [tilespmem:s30+$0x10]  }
0x6e: {  	v2 =	vld [tilespmem:s30+$0x20]  }
0x6f: {  	v13 =	vld [tilespmem:s3+$0x10]  }
0x70: {  	v14 =	vld [tilespmem:s29+$0x30]  }
0x71: {  	v15 =	vld [tilespmem:s30+$0x30]  }
0x72: {  	v5 =	vmul.f32 v5, v11;
	v1 =	vmul.f32 v1, v12;
	v11 =	vld [tilespmem:s29+$0x40]  }
0x73: {  	v2 =	vmul.f32 v2, v7;
	v7 =	vld [tilespmem:s30+$0x40]  }
0x74: {  	v5 =	vmul.f32 v8, v5;
	v1 =	vmul.f32 v13, v1;
	v8 =	vld [tilespmem:s29+$0x50]  }
0x75: {  	v12 =	vld [tilespmem:s30+$0x50]  }
0x76: {  	v2 =	vmul.f32 v6, v2;
	v1 =	vadd.f32 v1, v5;
	v5 =	vmul.f32 v15, v14;
	v6 =	vld [tilespmem:s29+$0x60]  }
0x77: {  	v13 =	vld [tilespmem:s30+$0x60]  }
0x78: {  	v1 =	vadd.f32 v2, v1;
	v2 =	vmul.f32 v3, v5;
	v3 =	vmul.f32 v7, v11;
	v5 =	vld [tilespmem:s29+$0x70]  }
0x79: {  	v7 =	vld [tilespmem:s30+$0x70]  }
0x7a: {  	v11 =	vld [tilespmem:s29+$0xFFFFFF80];
	v1 =	vadd.f32 v2, v1;
	v2 =	vmul.f32 v9, v3;
	v3 =	vmul.f32 v12, v8  }
0x7b: {  	v8 =	vld [tilespmem:s3+$0x70]  }
0x7c: {  	s16 =	sadd.s32 $0x3, s1;
	s1 =	sadd.s32 $0x2, s1;
	s15 =	sadd.s32 $0x20, s15;
	v9 =	vld [tilespmem:s30+$0xFFFFFF80];
	v1 =	vadd.f32 v2, v1;
	v2 =	vmul.f32 v4, v3;
	v3 =	vmul.f32 v13, v6  }
0x7d: {  	s17 =	sand.u32 $0xE, s1;
	s18 =	sand.u32 $0x700, s15;
	s16 =	sand.u32 $0xF, s16;
	v4 =	vld [tilespmem:s29+$0xFFFFFF90]  }
0x7e: {  	p2 =	slt.u32 s1, $0x7E;
	s17 =	sor.u32 s17, s18;
	s16 =	sor.u32 s18, s16;
	v6 =	vld [tilespmem:s30+$0xFFFFFF90];
	v2 =	vadd.f32 v2, v1;
	v3 =	vmul.f32 v10, v3;
	v5 =	vmul.f32 v7, v5  }
0x7f: {  	v1 =	vor.u32 s17, v0;
	v10 =	vor.u32 s16, v0;
	v7 =	vld [tilespmem:s3+$0xFFFFFF80]  }
0x80: {  	v12 =	vld [tilespmem:s3+$0xFFFFFF90];
	v2 =	vadd.f32 v3, v2;
	v3 =	vmul.f32 v8, v5  }
0x81: {  	v5 =	vmul.f32 v9, v11;
	v8 =	vld [tilespmem:s29+$0xFFFFFFA0]  }
0x82: {  	v9 =	vld [tilespmem:s30+$0xFFFFFFA0];
	v2 =	vadd.f32 v3, v2  }
0x83: {  	v3 =	vmul.f32 v6, v4;
	v4 =	vld [tilespmem:s3+$0xFFFFFFA0]  }
0x84: {  	v5 =	vmul.f32 v7, v5;
	v6 =	vld [tilespmem:s29+$0xFFFFFFB0];
	[tilespmem:v10+s22+$0x0] =	vst.idx.msk $0xffff, v2  }
0x85: {  	v2 =	vmul.f32 v12, v3;
	v3 =	vld [tilespmem:s30+$0xFFFFFFB0]  }
0x86: {  	v7 =	vld [tilespmem:s3+$0xFFFFFFB0]  }
0x87: {  	v2 =	vadd.f32 v2, v5;
	v5 =	vmul.f32 v9, v8;
	v8 =	vld [tilespmem:s29+$0xFFFFFFC0]  }
0x88: {  	v9 =	vld [tilespmem:s30+$0xFFFFFFC0]  }
0x89: {  	v4 =	vmul.f32 v4, v5;
	v5 =	vld [tilespmem:s3+$0xFFFFFFC0]  }
0x8a: {  	v3 =	vmul.f32 v3, v6;
	v6 =	vld [tilespmem:s29+$0xFFFFFFD0]  }
0x8b: {  	v4 =	vadd.f32 v4, v2;
	v10 =	vld [tilespmem:s30+$0xFFFFFFD0]  }
0x8c: {  	v3 =	vmul.f32 v7, v3;
	v7 =	vld [tilespmem:s3+$0xFFFFFFD0]  }
0x8d: {  	v8 =	vmul.f32 v9, v8;
	v2 =	vld [tilespmem:s29+$0xFFFFFFE0]  }
.Ltmp0:
0x8e: {  	v9 =	vadd.f32 v3, v4;
	v4 =	vld [tilespmem:s30+$0xFFFFFFE0];
	(pc) =	sbr.rel @p2 .LBB2_3-.Ltmp0, $4  }
0x8f: {  	v8 =	vmul.f32 v5, v8;
	v3 =	vld [tilespmem:s3+$0xFFFFFFE0]  }
0x90: {  	v10 =	vmul.f32 v10, v6;
	v5 =	vld [tilespmem:s29+$0xFFFFFFF0]  }
0x91: {  	v8 =	vadd.f32 v8, v9;
	v6 =	vld [tilespmem:s30+$0xFFFFFFF0]  }
0x92: {  	v9 =	vmul.f32 v7, v10;
	v7 =	vld [tilespmem:s3+$0xFFFFFFF0];
	s3 =	sadd.s32 $0x100, s3  }
0x93: {  	_ = 	snop  }
0x94: {  	v2 =	vmul.f32 v4, v2;
	_ =	sdelay $0x1  }
0x95: {  	v4 =	vadd.f32 v9, v8;
	v2 =	vmul.f32 v3, v2;
	v3 =	vmul.f32 v6, v5;
	_ =	sdelay $0x1  }
0x96: {  	v2 =	vadd.f32 v2, v4;
	v3 =	vmul.f32 v7, v3;
	_ =	sdelay $0x1  }
0x97: {  	v2 =	vadd.f32 v3, v2;
	_ =	sdelay $0x1  }
0x98: {  	[tilespmem:v1+s22+$0x0] =	vst.idx.msk $0xffff, v2  }
0x99: {  	v7 =	vld [tilespmem:s31+$0xFFFFFF80]  }
0x9a: {  	v1 =	vld [tilespmem:s31+$0xFFFFFF90]  }
0x9b: {  	v2 =	vld [tilespmem:s31+$0xFFFFFFA0]  }
0x9c: {  	v3 =	vld [tilespmem:s31+$0xFFFFFFB0]  }
0x9d: {  	v4 =	vld [tilespmem:s31+$0xFFFFFFC0]  }
0x9e: {  	v5 =	vld [tilespmem:s31+$0xFFFFFFD0]  }
0x9f: {  	v6 =	vld [tilespmem:s31+$0xFFFFFFE0]  }
0xa0: {  	v9 =	vld [tilespmem:s31+$0xFFFFFFF0]  }
0xa1: {  	v8 =	vld [tilespmem:s31+$0x0]  }
0xa2: {  	v10 =	vld [tilespmem:s31+$0x10]  }
0xa3: {  	v11 =	vld [tilespmem:s31+$0x20]  }
0xa4: {  	v12 =	vld [tilespmem:s31+$0x30]  }
0xa5: {  	v13 =	vld [tilespmem:s31+$0x40]  }
0xa6: {  	v14 =	vld [tilespmem:s31+$0x50]  }
0xa7: {  	v15 =	vld [tilespmem:s31+$0x60]  }
0xa8: {  	s1 =	simm.s32 $0x18400;
	s3 =	simm.s32 $0x40;
	v16 =	vld [tilespmem:s31+$0x70]  }
.LBB2_5:
0xa9: {  	v17 =	vld [tilespmem:s1+$0xFFFFFF80];
	p2 =	sne.s32 s3, $0x1C0  }
0xaa: {  	v7 =	vadd.f32 v1, v7;
	v18 =	vadd.f32 v3, v2;
	v1 =	vld [tilespmem:s1+$0xFFFFFF90]  }
0xab: {  	v19 =	vadd.f32 v5, v4;
	v6 =	vadd.f32 v9, v6;
	v2 =	vld [tilespmem:s1+$0xFFFFFFA0]  }
0xac: {  	v8 =	vadd.f32 v10, v8;
	v9 =	vadd.f32 v12, v11;
	v3 =	vld [tilespmem:s1+$0xFFFFFFB0]  }
0xad: {  	v10 =	vadd.f32 v14, v13;
	v4 =	vld [tilespmem:s1+$0xFFFFFFC0];
	v11 =	vadd.f32 v16, v15  }
0xae: {  	v12 =	vadd.f32 v18, v7;
	v13 =	vadd.f32 v6, v19;
	v5 =	vld [tilespmem:s1+$0xFFFFFFD0];
	v7 =	vmov v17  }
0xaf: {  	v14 =	vadd.f32 v9, v8;
	v6 =	vld [tilespmem:s1+$0xFFFFFFE0];
	v10 =	vadd.f32 v11, v10  }
0xb0: {  	v9 =	vld [tilespmem:s1+$0xFFFFFFF0]  }
0xb1: {  	v12 =	vadd.f32 v13, v12;
	v8 =	vld [tilespmem:s1+$0x0];
	v13 =	vadd.f32 v10, v14  }
0xb2: {  	v10 =	vld [tilespmem:s1+$0x10]  }
0xb3: {  	v11 =	vld [tilespmem:s1+$0x20];
	v14 =	vadd.f32 v13, v12  }
.Ltmp1:
0xb4: {  	s15 =	sshra.s32 s28, $0x2;
	s28 =	smov.u32 s3;
	v12 =	vld [tilespmem:s1+$0x30];
	(pc) =	sbr.rel @p2 .LBB2_5-.Ltmp1, $4  }
0xb5: {  	v13 =	vld [tilespmem:s1+$0x40];
	[tilespmem:s15+$0x18200] =	vst v14  }
0xb6: {  	v14 =	vld [tilespmem:s1+$0x50]  }
0xb7: {  	v15 =	vld [tilespmem:s1+$0x60]  }
0xb8: {  	s3 =	sadd.s32 $0x40, s3;
	v16 =	vld [tilespmem:s1+$0x70];
	s1 =	sadd.s32 $0x100, s1  }
0xb9: {  	_ = 	snop  }
0xba: {  	v1 =	vadd.f32 v1, v7;
	v2 =	vadd.f32 v3, v2  }
0xbb: {  	v3 =	vadd.f32 v5, v4;
	v58 =	vadd.f32 v9, v6  }
0xbc: {  	v59 =	vadd.f32 v10, v8;
	v60 =	vadd.f32 v12, v11  }
0xbd: {  	v61 =	vadd.f32 v14, v13;
	v62 =	vadd.f32 v16, v15  }
0xbe: {  	v1 =	vadd.f32 v2, v1;
	v2 =	vadd.f32 v58, v3  }
0xbf: {  	v3 =	vadd.f32 v60, v59;
	v63 =	vadd.f32 v62, v61;
	_ =	sdelay $0x1  }
0xc0: {  	v1 =	vadd.f32 v2, v1;
	v2 =	vadd.f32 v63, v3  }
0xc1: {  	s1 =	sshll.u32 s26, $0x7  }
0xc2: {  	s1 =	sadd.s32 s7, s1;
	v1 =	vadd.f32 v2, v1  }
0xc3: {  	s3 =	sshra.s32 s28, $0x2;
	p2 =	sne.s32 s25, $0x4;
	s1 =	sshrl.u32 s1, $0x3  }
.Ltmp2:
0xc4: {  	s1 =	sadd.s32 s4, s1;
	[tilespmem:s3+$0x18200] =	vst v1;
	(pc) =	sbr.rel @p2 .LBB2_2-.Ltmp2, $4  }
0xc5: {  	[hbm4b:s1+s6] =	stream.linear.scatter [tilespmem:s23], [sflag:$0x4], $0x80, $0x38;
	[tilespmem:$0x1A9C0] =	vst v63  }
0xc6: {  	_ =	swait.ge [sflag:s14], $0x80  }
0xc7: {  	[sflag:s14] =	ssyncset.done $0x0  }
0xc8: {  	p1 =	por !p1, !p1;
	s26 =	smov.u32 s25;
	[sflag:s14] =	ssyncadd.s32 $0xFFFFFF80  }
0xc9: {  	s24 =	sadd.s32 $0x1, s24  }
0xca: {  	p1 =	sne.s32 s24, s12  }
.Ltmp3:
0xcb: {  	_ = 	snop;
	(pc) =	sbr.rel @p1 .LBB2_1-.Ltmp3, $1  }
0xcc: {  	_ =	sdelay $0x3  }
0xcd: {  	_ =	sfence.sel $0x180000  }
0xce: {  	[bflag:$0x0] =	sbarrier.arrive $0xFFFF  }
0xcf: {  	_ =	strace $0x90000047  }
0xd0: {  	[bflag:$0x2] =	sbarrier.arrive $0xFFFF  }
0xd1: {  	s0 =	rddreg [dreg:$0x6]  }
0xd2: {  	s0 =	sadd.s32 @!p0 $0x100000, s0  }
0xd3: {  	[sflag:s0] =	ssyncadd.tile.s32 @!p0 $0x1;
	_ =	shalt  }
.Lfunc_end2:
_tile_overlayer_lowered:
.L_overlay_start_2:
0xd4: {  	(tag) =	ssettag $0x2  }
0xd5: {  	s0 =	rddreg [dreg:$0x0];
	s2 =	stileid.u32  }
0xd6: {  	s1 =	rddreg [dreg:$0x1];
	p0 =	sne.s32 s2, $0x0  }
0xd7: {  	s3 =	rddreg [dreg:$0x2];
	[bflag:$0x3] =	sbarrier.arrive $0xFFFF;
	s2 =	simm.s32 @!p0 $0x1C04  }
0xd8: {  	[timem:s3], [sflag:s2] =	dma.local @!p0 [hbm:s0], s1  }
0xd9: {  	s0 =	simm.s32 @!p0 $0x4  }
0xda: {  	_ =	swait.ge @!p0 [sflag:s0], s1  }
0xdb: {  	s1 =	ssub.s32 @!p0 $0x0, s1;
	[sflag:s0] =	ssyncset.done @!p0 $0x0  }
0xdc: {  	[sflag:s0] =	ssyncadd.s32 @!p0 s1  }
0xdd: {  	[bflag:$0x3] =	sbarrier.arrive $0xFFFF  }
0xde: {  	_ =	shalt  }

</sc_bundles>
